<compile_context>
chip_gen: v7x
topology: tpu7x:2x2x1
jax: 0.10.2.dev20260603
libtpu: 0.0.44.dev20260713+nightly
codegen_flags: <defaults>
</compile_context>

<pallas_src>
import functools

import jax
import jax.numpy as jnp
from jax import lax
from jax.experimental import pallas as pl
from jax.experimental.pallas import tpu as pltpu
from jax.experimental.pallas import tpu_sc as plsc

D_MODEL = 64
_SCALE = 8.0
_NC, _NS, _L = 2, 16, 16
_NW = _NC * _NS
_C = 256
_NBUF = 4


@functools.partial(jax.jit, static_argnums=(0,))
def _sc_lookup(B, xf, table):
    per_w = B // _NW
    n_chunks = per_w // _C
    groups = n_chunks // _NBUF
    mesh = plsc.VectorSubcoreMesh(core_axis_name="c", subcore_axis_name="s")

    @functools.partial(
        pl.kernel,
        mesh=mesh,
        out_type=jax.ShapeDtypeStruct((B, D_MODEL), jnp.float32),
        scratch_types=(
            [pltpu.VMEM((per_w,), jnp.int32)]
            + [pltpu.VMEM((_C, D_MODEL), jnp.float32) for _ in range(_NBUF)]
            + [pltpu.SemaphoreType.DMA for _ in range(2 * _NBUF)]
        ),
        compiler_params=pltpu.CompilerParams(use_tc_tiling_on_sc=False),
    )
    def k(x_hbm, table_hbm, out_hbm, idx_v, *bufs_and_sems):
        rows = bufs_and_sems[:_NBUF]
        gsem = bufs_and_sems[_NBUF : 2 * _NBUF]
        ssem = bufs_and_sems[2 * _NBUF :]
        wid = lax.axis_index("s") * _NC + lax.axis_index("c")
        base = wid * per_w
        pltpu.sync_copy(x_hbm.at[pl.ds(base, per_w)], idx_v)

        def fire_g(c, b):
            pltpu.async_copy(
                table_hbm.at[idx_v.at[pl.ds(c * _C, _C)]], rows[b], gsem[b]
            )

        def wait_g(c, b):
            pltpu.make_async_copy(
                table_hbm.at[idx_v.at[pl.ds(c * _C, _C)]], rows[b], gsem[b]
            ).wait()

        def fire_s(c, b):
            pltpu.async_copy(rows[b], out_hbm.at[pl.ds(base + c * _C, _C)], ssem[b])

        def wait_s(c, b):
            pltpu.make_async_copy(
                rows[b], out_hbm.at[pl.ds(base + c * _C, _C)], ssem[b]
            ).wait()

        def scale(b):
            buf = rows[b]

            @plsc.parallel_loop(0, _C, unroll=4)
            def _(i):
                for j in range(D_MODEL // _L):
                    s = (i, pl.ds(j * _L, _L))
                    buf[s] = buf[s] * _SCALE

        def chunk_body(c, b, refire):
            wait_g(c, b)
            scale(b)
            fire_s(c, b)
            if refire:
                bp = (b - 1) % _NBUF
                wait_s(c - 1, bp)
                fire_g(c - 1 + _NBUF, bp)

        for b in range(_NBUF):
            fire_g(b, b)
        for b in range(_NBUF):
            chunk_body(b, b, refire=b >= 1)

        def group_body(g, carry):
            c0 = g * _NBUF
            for b in range(_NBUF):
                chunk_body(c0 + b, b, refire=True)
            return carry

        lax.fori_loop(1, groups - 1, group_body, 0)

        c0 = (groups - 1) * _NBUF
        for b in range(_NBUF):
            chunk_body(c0 + b, b, refire=b == 0)
        for b in range(_NBUF):
            wait_s(c0 + b, b)

    return k(xf, table)


def kernel(x, table):
    lead_shape = x.shape
    xf = x.reshape(-1).astype(jnp.int32)
    out = _sc_lookup(xf.shape[0], xf, table)
    return out.reshape(*lead_shape, D_MODEL)

# --- scband reference (transcript-rebuilt; emitter-appended) ---
"""Pipeline reference for scband-token-embedding-17961553232310 (READ-ONLY COPY).

The authoritative reference and input builder live on the scoring server;
editing this copy changes nothing except your own understanding.
"""

import jax, jax.numpy as jnp
import numpy as np
import math

D_VOCAB = 1000000
D_MODEL = 64

def setup_inputs(seed: int = 0) -> dict:
    key = jax.random.key(seed)
    k1, k2 = jax.random.split(key)
    x = jax.random.randint(k1, (4096, 200), 0, D_VOCAB, dtype=jnp.int64 if jax.config.jax_enable_x64 else jnp.int32)
    table = jax.random.normal(k2, (D_VOCAB, D_MODEL), dtype=jnp.float32)
    return {"x": x, "table": table}

def reference(x, table):
    y = jnp.take(table, x, axis=0) * math.sqrt(D_MODEL)
    return y

if __name__ == "__main__":
    import jax
    _d = setup_inputs()
    print(jax.jit(kernel)(*tuple(_d.values())))

</pallas_src>

<mosaic_0001>
#map = affine_map<(d0, d1) -> (0)>
#map1 = affine_map<(d0, d1) -> (0, 0)>
module attributes {stable_mosaic.version = 14 : i64} {
  func.func @k(%arg0: i32, %arg1: i32, %arg2: memref<819200xi32, #tpu.memory_space<hbm>>, %arg3: memref<1000000x64xf32, #tpu.memory_space<hbm>>, %arg4: memref<819200x64xf32, #tpu.memory_space<hbm>>, %arg5: memref<25600xi32, #tpu.memory_space<vmem>>, %arg6: memref<256x64xf32, #tpu.memory_space<vmem>>, %arg7: memref<256x64xf32, #tpu.memory_space<vmem>>, %arg8: memref<256x64xf32, #tpu.memory_space<vmem>>, %arg9: memref<256x64xf32, #tpu.memory_space<vmem>>, %arg10: memref<!tpu.dma_semaphore, #tpu.memory_space<semaphore_mem>>, %arg11: memref<!tpu.dma_semaphore, #tpu.memory_space<semaphore_mem>>, %arg12: memref<!tpu.dma_semaphore, #tpu.memory_space<semaphore_mem>>, %arg13: memref<!tpu.dma_semaphore, #tpu.memory_space<semaphore_mem>>, %arg14: memref<!tpu.dma_semaphore, #tpu.memory_space<semaphore_mem>>, %arg15: memref<!tpu.dma_semaphore, #tpu.memory_space<semaphore_mem>>, %arg16: memref<!tpu.dma_semaphore, #tpu.memory_space<semaphore_mem>>, %arg17: memref<!tpu.dma_semaphore, #tpu.memory_space<semaphore_mem>>) attributes {dimension_semantics = [#tpu.dimension_semantics<core_parallel>, #tpu.dimension_semantics<subcore_parallel>], iteration_bounds = array<i64: 2, 16>, scalar_prefetch = 0 : i64, scratch_operands = 13 : i64, tpu.core_type = #tpu.core_type<sc_vector_subcore>, window_params = [{transform_indices = #map}, {transform_indices = #map1}, {transform_indices = #map1}]} {
    %mul3A = arith.constant 2 : i32
    %mul3A_0 = arith.muli %arg1, %mul3A : i32
    %add3A = arith.addi %mul3A_0, %arg0 : i32
    %mul3A_1 = arith.constant 25600 : i32
    %mul3A_2 = arith.muli %add3A, %mul3A_1 : i32
    "tpu.region"() ({
      %run_scoped3A = tpu.sem_alloc : memref<!tpu.dma_semaphore, #tpu.memory_space<semaphore_mem>>
      %dma_start3A_205 = tpu.memref_slice %arg2[%mul3A_2] : memref<819200xi32, #tpu.memory_space<hbm>> -> memref<25600xi32, #tpu.memory_space<hbm>>
      %dma_start3A_206 = tpu.memref_slice %arg2[%mul3A_2] : memref<819200xi32, #tpu.memory_space<hbm>> -> memref<25600xi32, #tpu.memory_space<hbm>>
      tpu.enqueue_dma source(%dma_start3A_206 : memref<25600xi32, #tpu.memory_space<hbm>>) target(%arg5 : memref<25600xi32, #tpu.memory_space<vmem>>) target_semaphore(%run_scoped3A : memref<!tpu.dma_semaphore, #tpu.memory_space<semaphore_mem>>)
      %dma_wait3A_207 = tpu.memref_slice %arg2[%mul3A_2] : memref<819200xi32, #tpu.memory_space<hbm>> -> memref<25600xi32, #tpu.memory_space<hbm>>
      %dma_wait3A_208 = tpu.memref_slice %arg2[%mul3A_2] : memref<819200xi32, #tpu.memory_space<hbm>> -> memref<25600xi32, #tpu.memory_space<hbm>>
      tpu.wait_dma2 semaphore(%run_scoped3A : memref<!tpu.dma_semaphore, #tpu.memory_space<semaphore_mem>>) src(%dma_wait3A_208 : memref<25600xi32, #tpu.memory_space<hbm>>) dst(%arg5 : memref<25600xi32, #tpu.memory_space<vmem>>)
      tpu.yield
    }) : () -> ()
    %dma_start3A = arith.constant 0 : i32
    %dma_start3A_3 = tpu.memref_slice %arg5[%dma_start3A] : memref<25600xi32, #tpu.memory_space<vmem>> -> memref<256xi32, #tpu.memory_space<vmem>>
    %dma_start3A_4 = arith.constant 0 : i32
    %dma_start3A_5 = arith.constant 0 : i32
    %dma_start3A_6 = tpu.memref_slice %arg3[%dma_start3A_4, %dma_start3A_5] : memref<1000000x64xf32, #tpu.memory_space<hbm>> -> memref<1000000x64xf32, #tpu.memory_space<hbm>>
    tpu.enqueue_indirect_dma source(%dma_start3A_6 : memref<1000000x64xf32, #tpu.memory_space<hbm>>) target(%arg6 : memref<256x64xf32, #tpu.memory_space<vmem>>) offsets(%dma_start3A_3 : memref<256xi32, #tpu.memory_space<vmem>>) semaphore(%arg10 : memref<!tpu.dma_semaphore, #tpu.memory_space<semaphore_mem>>)
    %dma_start3A_7 = arith.constant 256 : i32
    %dma_start3A_8 = tpu.memref_slice %arg5[%dma_start3A_7] : memref<25600xi32, #tpu.memory_space<vmem>> -> memref<256xi32, #tpu.memory_space<vmem>>
    %dma_start3A_9 = arith.constant 0 : i32
    %dma_start3A_10 = arith.constant 0 : i32
    %dma_start3A_11 = tpu.memref_slice %arg3[%dma_start3A_9, %dma_start3A_10] : memref<1000000x64xf32, #tpu.memory_space<hbm>> -> memref<1000000x64xf32, #tpu.memory_space<hbm>>
    tpu.enqueue_indirect_dma source(%dma_start3A_11 : memref<1000000x64xf32, #tpu.memory_space<hbm>>) target(%arg7 : memref<256x64xf32, #tpu.memory_space<vmem>>) offsets(%dma_start3A_8 : memref<256xi32, #tpu.memory_space<vmem>>) semaphore(%arg11 : memref<!tpu.dma_semaphore, #tpu.memory_space<semaphore_mem>>)
    %dma_start3A_12 = arith.constant 512 : i32
    %dma_start3A_13 = tpu.memref_slice %arg5[%dma_start3A_12] : memref<25600xi32, #tpu.memory_space<vmem>> -> memref<256xi32, #tpu.memory_space<vmem>>
    %dma_start3A_14 = arith.constant 0 : i32
    %dma_start3A_15 = arith.constant 0 : i32
    %dma_start3A_16 = tpu.memref_slice %arg3[%dma_start3A_14, %dma_start3A_15] : memref<1000000x64xf32, #tpu.memory_space<hbm>> -> memref<1000000x64xf32, #tpu.memory_space<hbm>>
    tpu.enqueue_indirect_dma source(%dma_start3A_16 : memref<1000000x64xf32, #tpu.memory_space<hbm>>) target(%arg8 : memref<256x64xf32, #tpu.memory_space<vmem>>) offsets(%dma_start3A_13 : memref<256xi32, #tpu.memory_space<vmem>>) semaphore(%arg12 : memref<!tpu.dma_semaphore, #tpu.memory_space<semaphore_mem>>)
    %dma_start3A_17 = arith.constant 768 : i32
    %dma_start3A_18 = tpu.memref_slice %arg5[%dma_start3A_17] : memref<25600xi32, #tpu.memory_space<vmem>> -> memref<256xi32, #tpu.memory_space<vmem>>
    %dma_start3A_19 = arith.constant 0 : i32
    %dma_start3A_20 = arith.constant 0 : i32
    %dma_start3A_21 = tpu.memref_slice %arg3[%dma_start3A_19, %dma_start3A_20] : memref<1000000x64xf32, #tpu.memory_space<hbm>> -> memref<1000000x64xf32, #tpu.memory_space<hbm>>
    tpu.enqueue_indirect_dma source(%dma_start3A_21 : memref<1000000x64xf32, #tpu.memory_space<hbm>>) target(%arg9 : memref<256x64xf32, #tpu.memory_space<vmem>>) offsets(%dma_start3A_18 : memref<256xi32, #tpu.memory_space<vmem>>) semaphore(%arg13 : memref<!tpu.dma_semaphore, #tpu.memory_space<semaphore_mem>>)
    %dma_wait3A = arith.constant 0 : i32
    %dma_wait3A_22 = tpu.memref_slice %arg5[%dma_wait3A] : memref<25600xi32, #tpu.memory_space<vmem>> -> memref<256xi32, #tpu.memory_space<vmem>>
    %dma_wait3A_23 = arith.constant 0 : i32
    %dma_wait3A_24 = arith.constant 0 : i32
    %dma_wait3A_25 = tpu.memref_slice %arg3[%dma_wait3A_23, %dma_wait3A_24] : memref<1000000x64xf32, #tpu.memory_space<hbm>> -> memref<1000000x64xf32, #tpu.memory_space<hbm>>
    tpu.wait_indirect_dma semaphore(%arg10 : memref<!tpu.dma_semaphore, #tpu.memory_space<semaphore_mem>>) src(%dma_wait3A_25 : memref<1000000x64xf32, #tpu.memory_space<hbm>>) dst(%arg6 : memref<256x64xf32, #tpu.memory_space<vmem>>)
    %parallel_loop3A = arith.constant 0 : i32
    %parallel_loop3A_26 = arith.constant 256 : i32
    %parallel_loop3A_27 = arith.constant 1 : i32
    scf.for %parallel_loop3A_205 = %parallel_loop3A to %parallel_loop3A_26 step %parallel_loop3A_27  : i32 {
      %parallel_loop3A_206 = arith.index_cast %parallel_loop3A_205 : i32 to index
      %parallel_loop3A_207 = arith.constant 0 : index
      %parallel_loop3A_208 = tpu.vector_load %arg6[%parallel_loop3A_206, %parallel_loop3A_207] {strides = array<i32>} : memref<256x64xf32, #tpu.memory_space<vmem>>, vector<1x16xf32>,
      %parallel_loop3A_209 = vector.shape_cast %parallel_loop3A_208 : vector<1x16xf32> to vector<16xf32>
      %parallel_loop3A_210 = arith.constant 8.000000e+00 : f32
      %parallel_loop3A_211 = vector.broadcast %parallel_loop3A_210 : f32 to vector<16xf32>
      %parallel_loop3A_212 = arith.mulf %parallel_loop3A_209, %parallel_loop3A_211 : vector<16xf32>
      %parallel_loop3A_213 = arith.index_cast %parallel_loop3A_205 : i32 to index
      %parallel_loop3A_214 = arith.constant 0 : index
      %parallel_loop3A_215 = tpu.vector_load %arg6[%parallel_loop3A_213, %parallel_loop3A_214] {strides = array<i32>} : memref<256x64xf32, #tpu.memory_space<vmem>>, vector<1x16xf32>,
      %parallel_loop3A_216 = vector.shape_cast %parallel_loop3A_215 : vector<1x16xf32> to vector<16xf32>
      %parallel_loop3A_217 = vector.shape_cast %parallel_loop3A_212 : vector<16xf32> to vector<1x16xf32>
      tpu.vector_store %arg6[%parallel_loop3A_213, %parallel_loop3A_214], %parallel_loop3A_217 {strides = array<i32>} : memref<256x64xf32, #tpu.memory_space<vmem>>, vector<1x16xf32>,
      %parallel_loop3A_218 = arith.index_cast %parallel_loop3A_205 : i32 to index
      %parallel_loop3A_219 = arith.constant 16 : index
      %parallel_loop3A_220 = tpu.vector_load %arg6[%parallel_loop3A_218, %parallel_loop3A_219] {strides = array<i32>} : memref<256x64xf32, #tpu.memory_space<vmem>>, vector<1x16xf32>,
      %parallel_loop3A_221 = vector.shape_cast %parallel_loop3A_220 : vector<1x16xf32> to vector<16xf32>
      %parallel_loop3A_222 = arith.constant 8.000000e+00 : f32
      %parallel_loop3A_223 = vector.broadcast %parallel_loop3A_222 : f32 to vector<16xf32>
      %parallel_loop3A_224 = arith.mulf %parallel_loop3A_221, %parallel_loop3A_223 : vector<16xf32>
      %parallel_loop3A_225 = arith.index_cast %parallel_loop3A_205 : i32 to index
      %parallel_loop3A_226 = arith.constant 16 : index
      %parallel_loop3A_227 = tpu.vector_load %arg6[%parallel_loop3A_225, %parallel_loop3A_226] {strides = array<i32>} : memref<256x64xf32, #tpu.memory_space<vmem>>, vector<1x16xf32>,
      %parallel_loop3A_228 = vector.shape_cast %parallel_loop3A_227 : vector<1x16xf32> to vector<16xf32>
      %parallel_loop3A_229 = vector.shape_cast %parallel_loop3A_224 : vector<16xf32> to vector<1x16xf32>
      tpu.vector_store %arg6[%parallel_loop3A_225, %parallel_loop3A_226], %parallel_loop3A_229 {strides = array<i32>} : memref<256x64xf32, #tpu.memory_space<vmem>>, vector<1x16xf32>,
      %parallel_loop3A_230 = arith.index_cast %parallel_loop3A_205 : i32 to index
      %parallel_loop3A_231 = arith.constant 32 : index
      %parallel_loop3A_232 = tpu.vector_load %arg6[%parallel_loop3A_230, %parallel_loop3A_231] {strides = array<i32>} : memref<256x64xf32, #tpu.memory_space<vmem>>, vector<1x16xf32>,
      %parallel_loop3A_233 = vector.shape_cast %parallel_loop3A_232 : vector<1x16xf32> to vector<16xf32>
      %parallel_loop3A_234 = arith.constant 8.000000e+00 : f32
      %parallel_loop3A_235 = vector.broadcast %parallel_loop3A_234 : f32 to vector<16xf32>
      %parallel_loop3A_236 = arith.mulf %parallel_loop3A_233, %parallel_loop3A_235 : vector<16xf32>
      %parallel_loop3A_237 = arith.index_cast %parallel_loop3A_205 : i32 to index
      %parallel_loop3A_238 = arith.constant 32 : index
      %parallel_loop3A_239 = tpu.vector_load %arg6[%parallel_loop3A_237, %parallel_loop3A_238] {strides = array<i32>} : memref<256x64xf32, #tpu.memory_space<vmem>>, vector<1x16xf32>,
      %parallel_loop3A_240 = vector.shape_cast %parallel_loop3A_239 : vector<1x16xf32> to vector<16xf32>
      %parallel_loop3A_241 = vector.shape_cast %parallel_loop3A_236 : vector<16xf32> to vector<1x16xf32>
      tpu.vector_store %arg6[%parallel_loop3A_237, %parallel_loop3A_238], %parallel_loop3A_241 {strides = array<i32>} : memref<256x64xf32, #tpu.memory_space<vmem>>, vector<1x16xf32>,
      %parallel_loop3A_242 = arith.index_cast %parallel_loop3A_205 : i32 to index
      %parallel_loop3A_243 = arith.constant 48 : index
      %parallel_loop3A_244 = tpu.vector_load %arg6[%parallel_loop3A_242, %parallel_loop3A_243] {strides = array<i32>} : memref<256x64xf32, #tpu.memory_space<vmem>>, vector<1x16xf32>,
      %parallel_loop3A_245 = vector.shape_cast %parallel_loop3A_244 : vector<1x16xf32> to vector<16xf32>
      %parallel_loop3A_246 = arith.constant 8.000000e+00 : f32
      %parallel_loop3A_247 = vector.broadcast %parallel_loop3A_246 : f32 to vector<16xf32>
      %parallel_loop3A_248 = arith.mulf %parallel_loop3A_245, %parallel_loop3A_247 : vector<16xf32>
      %parallel_loop3A_249 = arith.index_cast %parallel_loop3A_205 : i32 to index
      %parallel_loop3A_250 = arith.constant 48 : index
      %parallel_loop3A_251 = tpu.vector_load %arg6[%parallel_loop3A_249, %parallel_loop3A_250] {strides = array<i32>} : memref<256x64xf32, #tpu.memory_space<vmem>>, vector<1x16xf32>,
      %parallel_loop3A_252 = vector.shape_cast %parallel_loop3A_251 : vector<1x16xf32> to vector<16xf32>
      %parallel_loop3A_253 = vector.shape_cast %parallel_loop3A_248 : vector<16xf32> to vector<1x16xf32>
      tpu.vector_store %arg6[%parallel_loop3A_249, %parallel_loop3A_250], %parallel_loop3A_253 {strides = array<i32>} : memref<256x64xf32, #tpu.memory_space<vmem>>, vector<1x16xf32>,
    } {sc.loop_unroll_factor = 4 : i64, sc.parallel_access}
    %add3A_28 = arith.constant 0 : i32
    %add3A_29 = arith.addi %mul3A_2, %add3A_28 : i32
    %dma_start3A_30 = arith.constant 0 : i32
    %dma_start3A_31 = tpu.memref_slice %arg4[%add3A_29, %dma_start3A_30] : memref<819200x64xf32, #tpu.memory_space<hbm>> -> memref<256x64xf32, #tpu.memory_space<hbm>>
    %dma_start3A_32 = arith.constant 0 : i32
    %dma_start3A_33 = tpu.memref_slice %arg4[%add3A_29, %dma_start3A_32] : memref<819200x64xf32, #tpu.memory_space<hbm>> -> memref<256x64xf32, #tpu.memory_space<hbm>>
    tpu.enqueue_dma source(%arg6 : memref<256x64xf32, #tpu.memory_space<vmem>>) target(%dma_start3A_33 : memref<256x64xf32, #tpu.memory_space<hbm>>) target_semaphore(%arg14 : memref<!tpu.dma_semaphore, #tpu.memory_space<semaphore_mem>>)
    %dma_wait3A_34 = arith.constant 256 : i32
    %dma_wait3A_35 = tpu.memref_slice %arg5[%dma_wait3A_34] : memref<25600xi32, #tpu.memory_space<vmem>> -> memref<256xi32, #tpu.memory_space<vmem>>
    %dma_wait3A_36 = arith.constant 0 : i32
    %dma_wait3A_37 = arith.constant 0 : i32
    %dma_wait3A_38 = tpu.memref_slice %arg3[%dma_wait3A_36, %dma_wait3A_37] : memref<1000000x64xf32, #tpu.memory_space<hbm>> -> memref<1000000x64xf32, #tpu.memory_space<hbm>>
    tpu.wait_indirect_dma semaphore(%arg11 : memref<!tpu.dma_semaphore, #tpu.memory_space<semaphore_mem>>) src(%dma_wait3A_38 : memref<1000000x64xf32, #tpu.memory_space<hbm>>) dst(%arg7 : memref<256x64xf32, #tpu.memory_space<vmem>>)
    %parallel_loop3A_39 = arith.constant 0 : i32
    %parallel_loop3A_40 = arith.constant 256 : i32
    %parallel_loop3A_41 = arith.constant 1 : i32
    scf.for %parallel_loop3A_205 = %parallel_loop3A_39 to %parallel_loop3A_40 step %parallel_loop3A_41  : i32 {
      %parallel_loop3A_206 = arith.index_cast %parallel_loop3A_205 : i32 to index
      %parallel_loop3A_207 = arith.constant 0 : index
      %parallel_loop3A_208 = tpu.vector_load %arg7[%parallel_loop3A_206, %parallel_loop3A_207] {strides = array<i32>} : memref<256x64xf32, #tpu.memory_space<vmem>>, vector<1x16xf32>,
      %parallel_loop3A_209 = vector.shape_cast %parallel_loop3A_208 : vector<1x16xf32> to vector<16xf32>
      %parallel_loop3A_210 = arith.constant 8.000000e+00 : f32
      %parallel_loop3A_211 = vector.broadcast %parallel_loop3A_210 : f32 to vector<16xf32>
      %parallel_loop3A_212 = arith.mulf %parallel_loop3A_209, %parallel_loop3A_211 : vector<16xf32>
      %parallel_loop3A_213 = arith.index_cast %parallel_loop3A_205 : i32 to index
      %parallel_loop3A_214 = arith.constant 0 : index
      %parallel_loop3A_215 = tpu.vector_load %arg7[%parallel_loop3A_213, %parallel_loop3A_214] {strides = array<i32>} : memref<256x64xf32, #tpu.memory_space<vmem>>, vector<1x16xf32>,
      %parallel_loop3A_216 = vector.shape_cast %parallel_loop3A_215 : vector<1x16xf32> to vector<16xf32>
      %parallel_loop3A_217 = vector.shape_cast %parallel_loop3A_212 : vector<16xf32> to vector<1x16xf32>
      tpu.vector_store %arg7[%parallel_loop3A_213, %parallel_loop3A_214], %parallel_loop3A_217 {strides = array<i32>} : memref<256x64xf32, #tpu.memory_space<vmem>>, vector<1x16xf32>,
      %parallel_loop3A_218 = arith.index_cast %parallel_loop3A_205 : i32 to index
      %parallel_loop3A_219 = arith.constant 16 : index
      %parallel_loop3A_220 = tpu.vector_load %arg7[%parallel_loop3A_218, %parallel_loop3A_219] {strides = array<i32>} : memref<256x64xf32, #tpu.memory_space<vmem>>, vector<1x16xf32>,
      %parallel_loop3A_221 = vector.shape_cast %parallel_loop3A_220 : vector<1x16xf32> to vector<16xf32>
      %parallel_loop3A_222 = arith.constant 8.000000e+00 : f32
      %parallel_loop3A_223 = vector.broadcast %parallel_loop3A_222 : f32 to vector<16xf32>
      %parallel_loop3A_224 = arith.mulf %parallel_loop3A_221, %parallel_loop3A_223 : vector<16xf32>
      %parallel_loop3A_225 = arith.index_cast %parallel_loop3A_205 : i32 to index
      %parallel_loop3A_226 = arith.constant 16 : index
      %parallel_loop3A_227 = tpu.vector_load %arg7[%parallel_loop3A_225, %parallel_loop3A_226] {strides = array<i32>} : memref<256x64xf32, #tpu.memory_space<vmem>>, vector<1x16xf32>,
      %parallel_loop3A_228 = vector.shape_cast %parallel_loop3A_227 : vector<1x16xf32> to vector<16xf32>
      %parallel_loop3A_229 = vector.shape_cast %parallel_loop3A_224 : vector<16xf32> to vector<1x16xf32>
      tpu.vector_store %arg7[%parallel_loop3A_225, %parallel_loop3A_226], %parallel_loop3A_229 {strides = array<i32>} : memref<256x64xf32, #tpu.memory_space<vmem>>, vector<1x16xf32>,
      %parallel_loop3A_230 = arith.index_cast %parallel_loop3A_205 : i32 to index
      %parallel_loop3A_231 = arith.constant 32 : index
      %parallel_loop3A_232 = tpu.vector_load %arg7[%parallel_loop3A_230, %parallel_loop3A_231] {strides = array<i32>} : memref<256x64xf32, #tpu.memory_space<vmem>>, vector<1x16xf32>,
      %parallel_loop3A_233 = vector.shape_cast %parallel_loop3A_232 : vector<1x16xf32> to vector<16xf32>
      %parallel_loop3A_234 = arith.constant 8.000000e+00 : f32
      %parallel_loop3A_235 = vector.broadcast %parallel_loop3A_234 : f32 to vector<16xf32>
      %parallel_loop3A_236 = arith.mulf %parallel_loop3A_233, %parallel_loop3A_235 : vector<16xf32>
      %parallel_loop3A_237 = arith.index_cast %parallel_loop3A_205 : i32 to index
      %parallel_loop3A_238 = arith.constant 32 : index
      %parallel_loop3A_239 = tpu.vector_load %arg7[%parallel_loop3A_237, %parallel_loop3A_238] {strides = array<i32>} : memref<256x64xf32, #tpu.memory_space<vmem>>, vector<1x16xf32>,
      %parallel_loop3A_240 = vector.shape_cast %parallel_loop3A_239 : vector<1x16xf32> to vector<16xf32>
      %parallel_loop3A_241 = vector.shape_cast %parallel_loop3A_236 : vector<16xf32> to vector<1x16xf32>
      tpu.vector_store %arg7[%parallel_loop3A_237, %parallel_loop3A_238], %parallel_loop3A_241 {strides = array<i32>} : memref<256x64xf32, #tpu.memory_space<vmem>>, vector<1x16xf32>,
      %parallel_loop3A_242 = arith.index_cast %parallel_loop3A_205 : i32 to index
      %parallel_loop3A_243 = arith.constant 48 : index
      %parallel_loop3A_244 = tpu.vector_load %arg7[%parallel_loop3A_242, %parallel_loop3A_243] {strides = array<i32>} : memref<256x64xf32, #tpu.memory_space<vmem>>, vector<1x16xf32>,
      %parallel_loop3A_245 = vector.shape_cast %parallel_loop3A_244 : vector<1x16xf32> to vector<16xf32>
      %parallel_loop3A_246 = arith.constant 8.000000e+00 : f32
      %parallel_loop3A_247 = vector.broadcast %parallel_loop3A_246 : f32 to vector<16xf32>
      %parallel_loop3A_248 = arith.mulf %parallel_loop3A_245, %parallel_loop3A_247 : vector<16xf32>
      %parallel_loop3A_249 = arith.index_cast %parallel_loop3A_205 : i32 to index
      %parallel_loop3A_250 = arith.constant 48 : index
      %parallel_loop3A_251 = tpu.vector_load %arg7[%parallel_loop3A_249, %parallel_loop3A_250] {strides = array<i32>} : memref<256x64xf32, #tpu.memory_space<vmem>>, vector<1x16xf32>,
      %parallel_loop3A_252 = vector.shape_cast %parallel_loop3A_251 : vector<1x16xf32> to vector<16xf32>
      %parallel_loop3A_253 = vector.shape_cast %parallel_loop3A_248 : vector<16xf32> to vector<1x16xf32>
      tpu.vector_store %arg7[%parallel_loop3A_249, %parallel_loop3A_250], %parallel_loop3A_253 {strides = array<i32>} : memref<256x64xf32, #tpu.memory_space<vmem>>, vector<1x16xf32>,
    } {sc.loop_unroll_factor = 4 : i64, sc.parallel_access}
    %add3A_42 = arith.constant 256 : i32
    %add3A_43 = arith.addi %mul3A_2, %add3A_42 : i32
    %dma_start3A_44 = arith.constant 0 : i32
    %dma_start3A_45 = tpu.memref_slice %arg4[%add3A_43, %dma_start3A_44] : memref<819200x64xf32, #tpu.memory_space<hbm>> -> memref<256x64xf32, #tpu.memory_space<hbm>>
    %dma_start3A_46 = arith.constant 0 : i32
    %dma_start3A_47 = tpu.memref_slice %arg4[%add3A_43, %dma_start3A_46] : memref<819200x64xf32, #tpu.memory_space<hbm>> -> memref<256x64xf32, #tpu.memory_space<hbm>>
    tpu.enqueue_dma source(%arg7 : memref<256x64xf32, #tpu.memory_space<vmem>>) target(%dma_start3A_47 : memref<256x64xf32, #tpu.memory_space<hbm>>) target_semaphore(%arg15 : memref<!tpu.dma_semaphore, #tpu.memory_space<semaphore_mem>>)
    %add3A_48 = arith.constant 0 : i32
    %add3A_49 = arith.addi %mul3A_2, %add3A_48 : i32
    %dma_wait3A_50 = arith.constant 0 : i32
    %dma_wait3A_51 = tpu.memref_slice %arg4[%add3A_49, %dma_wait3A_50] : memref<819200x64xf32, #tpu.memory_space<hbm>> -> memref<256x64xf32, #tpu.memory_space<hbm>>
    %dma_wait3A_52 = arith.constant 0 : i32
    %dma_wait3A_53 = tpu.memref_slice %arg4[%add3A_49, %dma_wait3A_52] : memref<819200x64xf32, #tpu.memory_space<hbm>> -> memref<256x64xf32, #tpu.memory_space<hbm>>
    tpu.wait_dma2 semaphore(%arg14 : memref<!tpu.dma_semaphore, #tpu.memory_space<semaphore_mem>>) src(%arg6 : memref<256x64xf32, #tpu.memory_space<vmem>>) dst(%dma_wait3A_53 : memref<256x64xf32, #tpu.memory_space<hbm>>)
    %dma_start3A_54 = arith.constant 1024 : i32
    %dma_start3A_55 = tpu.memref_slice %arg5[%dma_start3A_54] : memref<25600xi32, #tpu.memory_space<vmem>> -> memref<256xi32, #tpu.memory_space<vmem>>
    %dma_start3A_56 = arith.constant 0 : i32
    %dma_start3A_57 = arith.constant 0 : i32
    %dma_start3A_58 = tpu.memref_slice %arg3[%dma_start3A_56, %dma_start3A_57] : memref<1000000x64xf32, #tpu.memory_space<hbm>> -> memref<1000000x64xf32, #tpu.memory_space<hbm>>
    tpu.enqueue_indirect_dma source(%dma_start3A_58 : memref<1000000x64xf32, #tpu.memory_space<hbm>>) target(%arg6 : memref<256x64xf32, #tpu.memory_space<vmem>>) offsets(%dma_start3A_55 : memref<256xi32, #tpu.memory_space<vmem>>) semaphore(%arg10 : memref<!tpu.dma_semaphore, #tpu.memory_space<semaphore_mem>>)
    %dma_wait3A_59 = arith.constant 512 : i32
    %dma_wait3A_60 = tpu.memref_slice %arg5[%dma_wait3A_59] : memref<25600xi32, #tpu.memory_space<vmem>> -> memref<256xi32, #tpu.memory_space<vmem>>
    %dma_wait3A_61 = arith.constant 0 : i32
    %dma_wait3A_62 = arith.constant 0 : i32
    %dma_wait3A_63 = tpu.memref_slice %arg3[%dma_wait3A_61, %dma_wait3A_62] : memref<1000000x64xf32, #tpu.memory_space<hbm>> -> memref<1000000x64xf32, #tpu.memory_space<hbm>>
    tpu.wait_indirect_dma semaphore(%arg12 : memref<!tpu.dma_semaphore, #tpu.memory_space<semaphore_mem>>) src(%dma_wait3A_63 : memref<1000000x64xf32, #tpu.memory_space<hbm>>) dst(%arg8 : memref<256x64xf32, #tpu.memory_space<vmem>>)
    %parallel_loop3A_64 = arith.constant 0 : i32
    %parallel_loop3A_65 = arith.constant 256 : i32
    %parallel_loop3A_66 = arith.constant 1 : i32
    scf.for %parallel_loop3A_205 = %parallel_loop3A_64 to %parallel_loop3A_65 step %parallel_loop3A_66  : i32 {
      %parallel_loop3A_206 = arith.index_cast %parallel_loop3A_205 : i32 to index
      %parallel_loop3A_207 = arith.constant 0 : index
      %parallel_loop3A_208 = tpu.vector_load %arg8[%parallel_loop3A_206, %parallel_loop3A_207] {strides = array<i32>} : memref<256x64xf32, #tpu.memory_space<vmem>>, vector<1x16xf32>,
      %parallel_loop3A_209 = vector.shape_cast %parallel_loop3A_208 : vector<1x16xf32> to vector<16xf32>
      %parallel_loop3A_210 = arith.constant 8.000000e+00 : f32
      %parallel_loop3A_211 = vector.broadcast %parallel_loop3A_210 : f32 to vector<16xf32>
      %parallel_loop3A_212 = arith.mulf %parallel_loop3A_209, %parallel_loop3A_211 : vector<16xf32>
      %parallel_loop3A_213 = arith.index_cast %parallel_loop3A_205 : i32 to index
      %parallel_loop3A_214 = arith.constant 0 : index
      %parallel_loop3A_215 = tpu.vector_load %arg8[%parallel_loop3A_213, %parallel_loop3A_214] {strides = array<i32>} : memref<256x64xf32, #tpu.memory_space<vmem>>, vector<1x16xf32>,
      %parallel_loop3A_216 = vector.shape_cast %parallel_loop3A_215 : vector<1x16xf32> to vector<16xf32>
      %parallel_loop3A_217 = vector.shape_cast %parallel_loop3A_212 : vector<16xf32> to vector<1x16xf32>
      tpu.vector_store %arg8[%parallel_loop3A_213, %parallel_loop3A_214], %parallel_loop3A_217 {strides = array<i32>} : memref<256x64xf32, #tpu.memory_space<vmem>>, vector<1x16xf32>,
      %parallel_loop3A_218 = arith.index_cast %parallel_loop3A_205 : i32 to index
      %parallel_loop3A_219 = arith.constant 16 : index
      %parallel_loop3A_220 = tpu.vector_load %arg8[%parallel_loop3A_218, %parallel_loop3A_219] {strides = array<i32>} : memref<256x64xf32, #tpu.memory_space<vmem>>, vector<1x16xf32>,
      %parallel_loop3A_221 = vector.shape_cast %parallel_loop3A_220 : vector<1x16xf32> to vector<16xf32>
      %parallel_loop3A_222 = arith.constant 8.000000e+00 : f32
      %parallel_loop3A_223 = vector.broadcast %parallel_loop3A_222 : f32 to vector<16xf32>
      %parallel_loop3A_224 = arith.mulf %parallel_loop3A_221, %parallel_loop3A_223 : vector<16xf32>
      %parallel_loop3A_225 = arith.index_cast %parallel_loop3A_205 : i32 to index
      %parallel_loop3A_226 = arith.constant 16 : index
      %parallel_loop3A_227 = tpu.vector_load %arg8[%parallel_loop3A_225, %parallel_loop3A_226] {strides = array<i32>} : memref<256x64xf32, #tpu.memory_space<vmem>>, vector<1x16xf32>,
      %parallel_loop3A_228 = vector.shape_cast %parallel_loop3A_227 : vector<1x16xf32> to vector<16xf32>
      %parallel_loop3A_229 = vector.shape_cast %parallel_loop3A_224 : vector<16xf32> to vector<1x16xf32>
      tpu.vector_store %arg8[%parallel_loop3A_225, %parallel_loop3A_226], %parallel_loop3A_229 {strides = array<i32>} : memref<256x64xf32, #tpu.memory_space<vmem>>, vector<1x16xf32>,
      %parallel_loop3A_230 = arith.index_cast %parallel_loop3A_205 : i32 to index
      %parallel_loop3A_231 = arith.constant 32 : index
      %parallel_loop3A_232 = tpu.vector_load %arg8[%parallel_loop3A_230, %parallel_loop3A_231] {strides = array<i32>} : memref<256x64xf32, #tpu.memory_space<vmem>>, vector<1x16xf32>,
      %parallel_loop3A_233 = vector.shape_cast %parallel_loop3A_232 : vector<1x16xf32> to vector<16xf32>
      %parallel_loop3A_234 = arith.constant 8.000000e+00 : f32
      %parallel_loop3A_235 = vector.broadcast %parallel_loop3A_234 : f32 to vector<16xf32>
      %parallel_loop3A_236 = arith.mulf %parallel_loop3A_233, %parallel_loop3A_235 : vector<16xf32>
      %parallel_loop3A_237 = arith.index_cast %parallel_loop3A_205 : i32 to index
      %parallel_loop3A_238 = arith.constant 32 : index
      %parallel_loop3A_239 = tpu.vector_load %arg8[%parallel_loop3A_237, %parallel_loop3A_238] {strides = array<i32>} : memref<256x64xf32, #tpu.memory_space<vmem>>, vector<1x16xf32>,
      %parallel_loop3A_240 = vector.shape_cast %parallel_loop3A_239 : vector<1x16xf32> to vector<16xf32>
      %parallel_loop3A_241 = vector.shape_cast %parallel_loop3A_236 : vector<16xf32> to vector<1x16xf32>
      tpu.vector_store %arg8[%parallel_loop3A_237, %parallel_loop3A_238], %parallel_loop3A_241 {strides = array<i32>} : memref<256x64xf32, #tpu.memory_space<vmem>>, vector<1x16xf32>,
      %parallel_loop3A_242 = arith.index_cast %parallel_loop3A_205 : i32 to index
      %parallel_loop3A_243 = arith.constant 48 : index
      %parallel_loop3A_244 = tpu.vector_load %arg8[%parallel_loop3A_242, %parallel_loop3A_243] {strides = array<i32>} : memref<256x64xf32, #tpu.memory_space<vmem>>, vector<1x16xf32>,
      %parallel_loop3A_245 = vector.shape_cast %parallel_loop3A_244 : vector<1x16xf32> to vector<16xf32>
      %parallel_loop3A_246 = arith.constant 8.000000e+00 : f32
      %parallel_loop3A_247 = vector.broadcast %parallel_loop3A_246 : f32 to vector<16xf32>
      %parallel_loop3A_248 = arith.mulf %parallel_loop3A_245, %parallel_loop3A_247 : vector<16xf32>
      %parallel_loop3A_249 = arith.index_cast %parallel_loop3A_205 : i32 to index
      %parallel_loop3A_250 = arith.constant 48 : index
      %parallel_loop3A_251 = tpu.vector_load %arg8[%parallel_loop3A_249, %parallel_loop3A_250] {strides = array<i32>} : memref<256x64xf32, #tpu.memory_space<vmem>>, vector<1x16xf32>,
      %parallel_loop3A_252 = vector.shape_cast %parallel_loop3A_251 : vector<1x16xf32> to vector<16xf32>
      %parallel_loop3A_253 = vector.shape_cast %parallel_loop3A_248 : vector<16xf32> to vector<1x16xf32>
      tpu.vector_store %arg8[%parallel_loop3A_249, %parallel_loop3A_250], %parallel_loop3A_253 {strides = array<i32>} : memref<256x64xf32, #tpu.memory_space<vmem>>, vector<1x16xf32>,
    } {sc.loop_unroll_factor = 4 : i64, sc.parallel_access}
    %add3A_67 = arith.constant 512 : i32
    %add3A_68 = arith.addi %mul3A_2, %add3A_67 : i32
    %dma_start3A_69 = arith.constant 0 : i32
    %dma_start3A_70 = tpu.memref_slice %arg4[%add3A_68, %dma_start3A_69] : memref<819200x64xf32, #tpu.memory_space<hbm>> -> memref<256x64xf32, #tpu.memory_space<hbm>>
    %dma_start3A_71 = arith.constant 0 : i32
    %dma_start3A_72 = tpu.memref_slice %arg4[%add3A_68, %dma_start3A_71] : memref<819200x64xf32, #tpu.memory_space<hbm>> -> memref<256x64xf32, #tpu.memory_space<hbm>>
    tpu.enqueue_dma source(%arg8 : memref<256x64xf32, #tpu.memory_space<vmem>>) target(%dma_start3A_72 : memref<256x64xf32, #tpu.memory_space<hbm>>) target_semaphore(%arg16 : memref<!tpu.dma_semaphore, #tpu.memory_space<semaphore_mem>>)
    %add3A_73 = arith.constant 256 : i32
    %add3A_74 = arith.addi %mul3A_2, %add3A_73 : i32
    %dma_wait3A_75 = arith.constant 0 : i32
    %dma_wait3A_76 = tpu.memref_slice %arg4[%add3A_74, %dma_wait3A_75] : memref<819200x64xf32, #tpu.memory_space<hbm>> -> memref<256x64xf32, #tpu.memory_space<hbm>>
    %dma_wait3A_77 = arith.constant 0 : i32
    %dma_wait3A_78 = tpu.memref_slice %arg4[%add3A_74, %dma_wait3A_77] : memref<819200x64xf32, #tpu.memory_space<hbm>> -> memref<256x64xf32, #tpu.memory_space<hbm>>
    tpu.wait_dma2 semaphore(%arg15 : memref<!tpu.dma_semaphore, #tpu.memory_space<semaphore_mem>>) src(%arg7 : memref<256x64xf32, #tpu.memory_space<vmem>>) dst(%dma_wait3A_78 : memref<256x64xf32, #tpu.memory_space<hbm>>)
    %dma_start3A_79 = arith.constant 1280 : i32
    %dma_start3A_80 = tpu.memref_slice %arg5[%dma_start3A_79] : memref<25600xi32, #tpu.memory_space<vmem>> -> memref<256xi32, #tpu.memory_space<vmem>>
    %dma_start3A_81 = arith.constant 0 : i32
    %dma_start3A_82 = arith.constant 0 : i32
    %dma_start3A_83 = tpu.memref_slice %arg3[%dma_start3A_81, %dma_start3A_82] : memref<1000000x64xf32, #tpu.memory_space<hbm>> -> memref<1000000x64xf32, #tpu.memory_space<hbm>>
    tpu.enqueue_indirect_dma source(%dma_start3A_83 : memref<1000000x64xf32, #tpu.memory_space<hbm>>) target(%arg7 : memref<256x64xf32, #tpu.memory_space<vmem>>) offsets(%dma_start3A_80 : memref<256xi32, #tpu.memory_space<vmem>>) semaphore(%arg11 : memref<!tpu.dma_semaphore, #tpu.memory_space<semaphore_mem>>)
    %dma_wait3A_84 = arith.constant 768 : i32
    %dma_wait3A_85 = tpu.memref_slice %arg5[%dma_wait3A_84] : memref<25600xi32, #tpu.memory_space<vmem>> -> memref<256xi32, #tpu.memory_space<vmem>>
    %dma_wait3A_86 = arith.constant 0 : i32
    %dma_wait3A_87 = arith.constant 0 : i32
    %dma_wait3A_88 = tpu.memref_slice %arg3[%dma_wait3A_86, %dma_wait3A_87] : memref<1000000x64xf32, #tpu.memory_space<hbm>> -> memref<1000000x64xf32, #tpu.memory_space<hbm>>
    tpu.wait_indirect_dma semaphore(%arg13 : memref<!tpu.dma_semaphore, #tpu.memory_space<semaphore_mem>>) src(%dma_wait3A_88 : memref<1000000x64xf32, #tpu.memory_space<hbm>>) dst(%arg9 : memref<256x64xf32, #tpu.memory_space<vmem>>)
    %parallel_loop3A_89 = arith.constant 0 : i32
    %parallel_loop3A_90 = arith.constant 256 : i32
    %parallel_loop3A_91 = arith.constant 1 : i32
    scf.for %parallel_loop3A_205 = %parallel_loop3A_89 to %parallel_loop3A_90 step %parallel_loop3A_91  : i32 {
      %parallel_loop3A_206 = arith.index_cast %parallel_loop3A_205 : i32 to index
      %parallel_loop3A_207 = arith.constant 0 : index
      %parallel_loop3A_208 = tpu.vector_load %arg9[%parallel_loop3A_206, %parallel_loop3A_207] {strides = array<i32>} : memref<256x64xf32, #tpu.memory_space<vmem>>, vector<1x16xf32>,
      %parallel_loop3A_209 = vector.shape_cast %parallel_loop3A_208 : vector<1x16xf32> to vector<16xf32>
      %parallel_loop3A_210 = arith.constant 8.000000e+00 : f32
      %parallel_loop3A_211 = vector.broadcast %parallel_loop3A_210 : f32 to vector<16xf32>
      %parallel_loop3A_212 = arith.mulf %parallel_loop3A_209, %parallel_loop3A_211 : vector<16xf32>
      %parallel_loop3A_213 = arith.index_cast %parallel_loop3A_205 : i32 to index
      %parallel_loop3A_214 = arith.constant 0 : index
      %parallel_loop3A_215 = tpu.vector_load %arg9[%parallel_loop3A_213, %parallel_loop3A_214] {strides = array<i32>} : memref<256x64xf32, #tpu.memory_space<vmem>>, vector<1x16xf32>,
      %parallel_loop3A_216 = vector.shape_cast %parallel_loop3A_215 : vector<1x16xf32> to vector<16xf32>
      %parallel_loop3A_217 = vector.shape_cast %parallel_loop3A_212 : vector<16xf32> to vector<1x16xf32>
      tpu.vector_store %arg9[%parallel_loop3A_213, %parallel_loop3A_214], %parallel_loop3A_217 {strides = array<i32>} : memref<256x64xf32, #tpu.memory_space<vmem>>, vector<1x16xf32>,
      %parallel_loop3A_218 = arith.index_cast %parallel_loop3A_205 : i32 to index
      %parallel_loop3A_219 = arith.constant 16 : index
      %parallel_loop3A_220 = tpu.vector_load %arg9[%parallel_loop3A_218, %parallel_loop3A_219] {strides = array<i32>} : memref<256x64xf32, #tpu.memory_space<vmem>>, vector<1x16xf32>,
      %parallel_loop3A_221 = vector.shape_cast %parallel_loop3A_220 : vector<1x16xf32> to vector<16xf32>
      %parallel_loop3A_222 = arith.constant 8.000000e+00 : f32
      %parallel_loop3A_223 = vector.broadcast %parallel_loop3A_222 : f32 to vector<16xf32>
      %parallel_loop3A_224 = arith.mulf %parallel_loop3A_221, %parallel_loop3A_223 : vector<16xf32>
      %parallel_loop3A_225 = arith.index_cast %parallel_loop3A_205 : i32 to index
      %parallel_loop3A_226 = arith.constant 16 : index
      %parallel_loop3A_227 = tpu.vector_load %arg9[%parallel_loop3A_225, %parallel_loop3A_226] {strides = array<i32>} : memref<256x64xf32, #tpu.memory_space<vmem>>, vector<1x16xf32>,
      %parallel_loop3A_228 = vector.shape_cast %parallel_loop3A_227 : vector<1x16xf32> to vector<16xf32>
      %parallel_loop3A_229 = vector.shape_cast %parallel_loop3A_224 : vector<16xf32> to vector<1x16xf32>
      tpu.vector_store %arg9[%parallel_loop3A_225, %parallel_loop3A_226], %parallel_loop3A_229 {strides = array<i32>} : memref<256x64xf32, #tpu.memory_space<vmem>>, vector<1x16xf32>,
      %parallel_loop3A_230 = arith.index_cast %parallel_loop3A_205 : i32 to index
      %parallel_loop3A_231 = arith.constant 32 : index
      %parallel_loop3A_232 = tpu.vector_load %arg9[%parallel_loop3A_230, %parallel_loop3A_231] {strides = array<i32>} : memref<256x64xf32, #tpu.memory_space<vmem>>, vector<1x16xf32>,
      %parallel_loop3A_233 = vector.shape_cast %parallel_loop3A_232 : vector<1x16xf32> to vector<16xf32>
      %parallel_loop3A_234 = arith.constant 8.000000e+00 : f32
      %parallel_loop3A_235 = vector.broadcast %parallel_loop3A_234 : f32 to vector<16xf32>
      %parallel_loop3A_236 = arith.mulf %parallel_loop3A_233, %parallel_loop3A_235 : vector<16xf32>
      %parallel_loop3A_237 = arith.index_cast %parallel_loop3A_205 : i32 to index
      %parallel_loop3A_238 = arith.constant 32 : index
      %parallel_loop3A_239 = tpu.vector_load %arg9[%parallel_loop3A_237, %parallel_loop3A_238] {strides = array<i32>} : memref<256x64xf32, #tpu.memory_space<vmem>>, vector<1x16xf32>,
      %parallel_loop3A_240 = vector.shape_cast %parallel_loop3A_239 : vector<1x16xf32> to vector<16xf32>
      %parallel_loop3A_241 = vector.shape_cast %parallel_loop3A_236 : vector<16xf32> to vector<1x16xf32>
      tpu.vector_store %arg9[%parallel_loop3A_237, %parallel_loop3A_238], %parallel_loop3A_241 {strides = array<i32>} : memref<256x64xf32, #tpu.memory_space<vmem>>, vector<1x16xf32>,
      %parallel_loop3A_242 = arith.index_cast %parallel_loop3A_205 : i32 to index
      %parallel_loop3A_243 = arith.constant 48 : index
      %parallel_loop3A_244 = tpu.vector_load %arg9[%parallel_loop3A_242, %parallel_loop3A_243] {strides = array<i32>} : memref<256x64xf32, #tpu.memory_space<vmem>>, vector<1x16xf32>,
      %parallel_loop3A_245 = vector.shape_cast %parallel_loop3A_244 : vector<1x16xf32> to vector<16xf32>
      %parallel_loop3A_246 = arith.constant 8.000000e+00 : f32
      %parallel_loop3A_247 = vector.broadcast %parallel_loop3A_246 : f32 to vector<16xf32>
      %parallel_loop3A_248 = arith.mulf %parallel_loop3A_245, %parallel_loop3A_247 : vector<16xf32>
      %parallel_loop3A_249 = arith.index_cast %parallel_loop3A_205 : i32 to index
      %parallel_loop3A_250 = arith.constant 48 : index
      %parallel_loop3A_251 = tpu.vector_load %arg9[%parallel_loop3A_249, %parallel_loop3A_250] {strides = array<i32>} : memref<256x64xf32, #tpu.memory_space<vmem>>, vector<1x16xf32>,
      %parallel_loop3A_252 = vector.shape_cast %parallel_loop3A_251 : vector<1x16xf32> to vector<16xf32>
      %parallel_loop3A_253 = vector.shape_cast %parallel_loop3A_248 : vector<16xf32> to vector<1x16xf32>
      tpu.vector_store %arg9[%parallel_loop3A_249, %parallel_loop3A_250], %parallel_loop3A_253 {strides = array<i32>} : memref<256x64xf32, #tpu.memory_space<vmem>>, vector<1x16xf32>,
    } {sc.loop_unroll_factor = 4 : i64, sc.parallel_access}
    %add3A_92 = arith.constant 768 : i32
    %add3A_93 = arith.addi %mul3A_2, %add3A_92 : i32
    %dma_start3A_94 = arith.constant 0 : i32
    %dma_start3A_95 = tpu.memref_slice %arg4[%add3A_93, %dma_start3A_94] : memref<819200x64xf32, #tpu.memory_space<hbm>> -> memref<256x64xf32, #tpu.memory_space<hbm>>
    %dma_start3A_96 = arith.constant 0 : i32
    %dma_start3A_97 = tpu.memref_slice %arg4[%add3A_93, %dma_start3A_96] : memref<819200x64xf32, #tpu.memory_space<hbm>> -> memref<256x64xf32, #tpu.memory_space<hbm>>
    tpu.enqueue_dma source(%arg9 : memref<256x64xf32, #tpu.memory_space<vmem>>) target(%dma_start3A_97 : memref<256x64xf32, #tpu.memory_space<hbm>>) target_semaphore(%arg17 : memref<!tpu.dma_semaphore, #tpu.memory_space<semaphore_mem>>)
    %add3A_98 = arith.constant 512 : i32
    %add3A_99 = arith.addi %mul3A_2, %add3A_98 : i32
    %dma_wait3A_100 = arith.constant 0 : i32
    %dma_wait3A_101 = tpu.memref_slice %arg4[%add3A_99, %dma_wait3A_100] : memref<819200x64xf32, #tpu.memory_space<hbm>> -> memref<256x64xf32, #tpu.memory_space<hbm>>
    %dma_wait3A_102 = arith.constant 0 : i32
    %dma_wait3A_103 = tpu.memref_slice %arg4[%add3A_99, %dma_wait3A_102] : memref<819200x64xf32, #tpu.memory_space<hbm>> -> memref<256x64xf32, #tpu.memory_space<hbm>>
    tpu.wait_dma2 semaphore(%arg16 : memref<!tpu.dma_semaphore, #tpu.memory_space<semaphore_mem>>) src(%arg8 : memref<256x64xf32, #tpu.memory_space<vmem>>) dst(%dma_wait3A_103 : memref<256x64xf32, #tpu.memory_space<hbm>>)
    %dma_start3A_104 = arith.constant 1536 : i32
    %dma_start3A_105 = tpu.memref_slice %arg5[%dma_start3A_104] : memref<25600xi32, #tpu.memory_space<vmem>> -> memref<256xi32, #tpu.memory_space<vmem>>
    %dma_start3A_106 = arith.constant 0 : i32
    %dma_start3A_107 = arith.constant 0 : i32
    %dma_start3A_108 = tpu.memref_slice %arg3[%dma_start3A_106, %dma_start3A_107] : memref<1000000x64xf32, #tpu.memory_space<hbm>> -> memref<1000000x64xf32, #tpu.memory_space<hbm>>
    tpu.enqueue_indirect_dma source(%dma_start3A_108 : memref<1000000x64xf32, #tpu.memory_space<hbm>>) target(%arg8 : memref<256x64xf32, #tpu.memory_space<vmem>>) offsets(%dma_start3A_105 : memref<256xi32, #tpu.memory_space<vmem>>) semaphore(%arg12 : memref<!tpu.dma_semaphore, #tpu.memory_space<semaphore_mem>>)
    %scan3A = arith.constant 0 : i32
    %scan3A_109 = arith.constant 1 : i32
    %scan3A_110 = arith.constant 23 : i32
    %scan3A_111 = arith.addi %scan3A_109, %scan3A_110 : i32
    %scan3A_112 = arith.constant 1 : i32
    scf.for %scan3A_205 = %scan3A_109 to %scan3A_111 step %scan3A_112  : i32 {
      %mul3A_206 = arith.constant 4 : i32
      %mul3A_207 = arith.muli %scan3A_205, %mul3A_206 : i32
      %add3A_208 = arith.constant 0 : i32
      %add3A_209 = arith.addi %mul3A_207, %add3A_208 : i32
      %mul3A_210 = arith.constant 256 : i32
      %mul3A_211 = arith.muli %add3A_209, %mul3A_210 : i32
      %dma_wait3A_212 = tpu.memref_slice %arg5[%mul3A_211] : memref<25600xi32, #tpu.memory_space<vmem>> -> memref<256xi32, #tpu.memory_space<vmem>>
      %dma_wait3A_213 = arith.constant 0 : i32
      %dma_wait3A_214 = arith.constant 0 : i32
      %dma_wait3A_215 = tpu.memref_slice %arg3[%dma_wait3A_213, %dma_wait3A_214] : memref<1000000x64xf32, #tpu.memory_space<hbm>> -> memref<1000000x64xf32, #tpu.memory_space<hbm>>
      tpu.wait_indirect_dma semaphore(%arg10 : memref<!tpu.dma_semaphore, #tpu.memory_space<semaphore_mem>>) src(%dma_wait3A_215 : memref<1000000x64xf32, #tpu.memory_space<hbm>>) dst(%arg6 : memref<256x64xf32, #tpu.memory_space<vmem>>)
      %parallel_loop3A_216 = arith.constant 0 : i32
      %parallel_loop3A_217 = arith.constant 256 : i32
      %parallel_loop3A_218 = arith.constant 1 : i32
      scf.for %parallel_loop3A_355 = %parallel_loop3A_216 to %parallel_loop3A_217 step %parallel_loop3A_218  : i32 {
        %parallel_loop3A_356 = arith.index_cast %parallel_loop3A_355 : i32 to index
        %parallel_loop3A_357 = arith.constant 0 : index
        %parallel_loop3A_358 = tpu.vector_load %arg6[%parallel_loop3A_356, %parallel_loop3A_357] {strides = array<i32>} : memref<256x64xf32, #tpu.memory_space<vmem>>, vector<1x16xf32>,
        %parallel_loop3A_359 = vector.shape_cast %parallel_loop3A_358 : vector<1x16xf32> to vector<16xf32>
        %parallel_loop3A_360 = arith.constant 8.000000e+00 : f32
        %parallel_loop3A_361 = vector.broadcast %parallel_loop3A_360 : f32 to vector<16xf32>
        %parallel_loop3A_362 = arith.mulf %parallel_loop3A_359, %parallel_loop3A_361 : vector<16xf32>
        %parallel_loop3A_363 = arith.index_cast %parallel_loop3A_355 : i32 to index
        %parallel_loop3A_364 = arith.constant 0 : index
        %parallel_loop3A_365 = tpu.vector_load %arg6[%parallel_loop3A_363, %parallel_loop3A_364] {strides = array<i32>} : memref<256x64xf32, #tpu.memory_space<vmem>>, vector<1x16xf32>,
        %parallel_loop3A_366 = vector.shape_cast %parallel_loop3A_365 : vector<1x16xf32> to vector<16xf32>
        %parallel_loop3A_367 = vector.shape_cast %parallel_loop3A_362 : vector<16xf32> to vector<1x16xf32>
        tpu.vector_store %arg6[%parallel_loop3A_363, %parallel_loop3A_364], %parallel_loop3A_367 {strides = array<i32>} : memref<256x64xf32, #tpu.memory_space<vmem>>, vector<1x16xf32>,
        %parallel_loop3A_368 = arith.index_cast %parallel_loop3A_355 : i32 to index
        %parallel_loop3A_369 = arith.constant 16 : index
        %parallel_loop3A_370 = tpu.vector_load %arg6[%parallel_loop3A_368, %parallel_loop3A_369] {strides = array<i32>} : memref<256x64xf32, #tpu.memory_space<vmem>>, vector<1x16xf32>,
        %parallel_loop3A_371 = vector.shape_cast %parallel_loop3A_370 : vector<1x16xf32> to vector<16xf32>
        %parallel_loop3A_372 = arith.constant 8.000000e+00 : f32
        %parallel_loop3A_373 = vector.broadcast %parallel_loop3A_372 : f32 to vector<16xf32>
        %parallel_loop3A_374 = arith.mulf %parallel_loop3A_371, %parallel_loop3A_373 : vector<16xf32>
        %parallel_loop3A_375 = arith.index_cast %parallel_loop3A_355 : i32 to index
        %parallel_loop3A_376 = arith.constant 16 : index
        %parallel_loop3A_377 = tpu.vector_load %arg6[%parallel_loop3A_375, %parallel_loop3A_376] {strides = array<i32>} : memref<256x64xf32, #tpu.memory_space<vmem>>, vector<1x16xf32>,
        %parallel_loop3A_378 = vector.shape_cast %parallel_loop3A_377 : vector<1x16xf32> to vector<16xf32>
        %parallel_loop3A_379 = vector.shape_cast %parallel_loop3A_374 : vector<16xf32> to vector<1x16xf32>
        tpu.vector_store %arg6[%parallel_loop3A_375, %parallel_loop3A_376], %parallel_loop3A_379 {strides = array<i32>} : memref<256x64xf32, #tpu.memory_space<vmem>>, vector<1x16xf32>,
        %parallel_loop3A_380 = arith.index_cast %parallel_loop3A_355 : i32 to index
        %parallel_loop3A_381 = arith.constant 32 : index
        %parallel_loop3A_382 = tpu.vector_load %arg6[%parallel_loop3A_380, %parallel_loop3A_381] {strides = array<i32>} : memref<256x64xf32, #tpu.memory_space<vmem>>, vector<1x16xf32>,
        %parallel_loop3A_383 = vector.shape_cast %parallel_loop3A_382 : vector<1x16xf32> to vector<16xf32>
        %parallel_loop3A_384 = arith.constant 8.000000e+00 : f32
        %parallel_loop3A_385 = vector.broadcast %parallel_loop3A_384 : f32 to vector<16xf32>
        %parallel_loop3A_386 = arith.mulf %parallel_loop3A_383, %parallel_loop3A_385 : vector<16xf32>
        %parallel_loop3A_387 = arith.index_cast %parallel_loop3A_355 : i32 to index
        %parallel_loop3A_388 = arith.constant 32 : index
        %parallel_loop3A_389 = tpu.vector_load %arg6[%parallel_loop3A_387, %parallel_loop3A_388] {strides = array<i32>} : memref<256x64xf32, #tpu.memory_space<vmem>>, vector<1x16xf32>,
        %parallel_loop3A_390 = vector.shape_cast %parallel_loop3A_389 : vector<1x16xf32> to vector<16xf32>
        %parallel_loop3A_391 = vector.shape_cast %parallel_loop3A_386 : vector<16xf32> to vector<1x16xf32>
        tpu.vector_store %arg6[%parallel_loop3A_387, %parallel_loop3A_388], %parallel_loop3A_391 {strides = array<i32>} : memref<256x64xf32, #tpu.memory_space<vmem>>, vector<1x16xf32>,
        %parallel_loop3A_392 = arith.index_cast %parallel_loop3A_355 : i32 to index
        %parallel_loop3A_393 = arith.constant 48 : index
        %parallel_loop3A_394 = tpu.vector_load %arg6[%parallel_loop3A_392, %parallel_loop3A_393] {strides = array<i32>} : memref<256x64xf32, #tpu.memory_space<vmem>>, vector<1x16xf32>,
        %parallel_loop3A_395 = vector.shape_cast %parallel_loop3A_394 : vector<1x16xf32> to vector<16xf32>
        %parallel_loop3A_396 = arith.constant 8.000000e+00 : f32
        %parallel_loop3A_397 = vector.broadcast %parallel_loop3A_396 : f32 to vector<16xf32>
        %parallel_loop3A_398 = arith.mulf %parallel_loop3A_395, %parallel_loop3A_397 : vector<16xf32>
        %parallel_loop3A_399 = arith.index_cast %parallel_loop3A_355 : i32 to index
        %parallel_loop3A_400 = arith.constant 48 : index
        %parallel_loop3A_401 = tpu.vector_load %arg6[%parallel_loop3A_399, %parallel_loop3A_400] {strides = array<i32>} : memref<256x64xf32, #tpu.memory_space<vmem>>, vector<1x16xf32>,
        %parallel_loop3A_402 = vector.shape_cast %parallel_loop3A_401 : vector<1x16xf32> to vector<16xf32>
        %parallel_loop3A_403 = vector.shape_cast %parallel_loop3A_398 : vector<16xf32> to vector<1x16xf32>
        tpu.vector_store %arg6[%parallel_loop3A_399, %parallel_loop3A_400], %parallel_loop3A_403 {strides = array<i32>} : memref<256x64xf32, #tpu.memory_space<vmem>>, vector<1x16xf32>,
      } {sc.loop_unroll_factor = 4 : i64, sc.parallel_access}
      %mul3A_219 = arith.constant 256 : i32
      %mul3A_220 = arith.muli %add3A_209, %mul3A_219 : i32
      %add3A_221 = arith.addi %mul3A_2, %mul3A_220 : i32
      %dma_start3A_222 = arith.constant 0 : i32
      %dma_start3A_223 = tpu.memref_slice %arg4[%add3A_221, %dma_start3A_222] : memref<819200x64xf32, #tpu.memory_space<hbm>> -> memref<256x64xf32, #tpu.memory_space<hbm>>
      %dma_start3A_224 = arith.constant 0 : i32
      %dma_start3A_225 = tpu.memref_slice %arg4[%add3A_221, %dma_start3A_224] : memref<819200x64xf32, #tpu.memory_space<hbm>> -> memref<256x64xf32, #tpu.memory_space<hbm>>
      tpu.enqueue_dma source(%arg6 : memref<256x64xf32, #tpu.memory_space<vmem>>) target(%dma_start3A_225 : memref<256x64xf32, #tpu.memory_space<hbm>>) target_semaphore(%arg14 : memref<!tpu.dma_semaphore, #tpu.memory_space<semaphore_mem>>)
      %sub3A = arith.constant 1 : i32
      %sub3A_226 = arith.subi %add3A_209, %sub3A : i32
      %mul3A_227 = arith.constant 256 : i32
      %mul3A_228 = arith.muli %sub3A_226, %mul3A_227 : i32
      %add3A_229 = arith.addi %mul3A_2, %mul3A_228 : i32
      %dma_wait3A_230 = arith.constant 0 : i32
      %dma_wait3A_231 = tpu.memref_slice %arg4[%add3A_229, %dma_wait3A_230] : memref<819200x64xf32, #tpu.memory_space<hbm>> -> memref<256x64xf32, #tpu.memory_space<hbm>>
      %dma_wait3A_232 = arith.constant 0 : i32
      %dma_wait3A_233 = tpu.memref_slice %arg4[%add3A_229, %dma_wait3A_232] : memref<819200x64xf32, #tpu.memory_space<hbm>> -> memref<256x64xf32, #tpu.memory_space<hbm>>
      tpu.wait_dma2 semaphore(%arg17 : memref<!tpu.dma_semaphore, #tpu.memory_space<semaphore_mem>>) src(%arg9 : memref<256x64xf32, #tpu.memory_space<vmem>>) dst(%dma_wait3A_233 : memref<256x64xf32, #tpu.memory_space<hbm>>)
      %sub3A_234 = arith.constant 1 : i32
      %sub3A_235 = arith.subi %add3A_209, %sub3A_234 : i32
      %add3A_236 = arith.constant 4 : i32
      %add3A_237 = arith.addi %sub3A_235, %add3A_236 : i32
      %mul3A_238 = arith.constant 256 : i32
      %mul3A_239 = arith.muli %add3A_237, %mul3A_238 : i32
      %dma_start3A_240 = tpu.memref_slice %arg5[%mul3A_239] : memref<25600xi32, #tpu.memory_space<vmem>> -> memref<256xi32, #tpu.memory_space<vmem>>
      %dma_start3A_241 = arith.constant 0 : i32
      %dma_start3A_242 = arith.constant 0 : i32
      %dma_start3A_243 = tpu.memref_slice %arg3[%dma_start3A_241, %dma_start3A_242] : memref<1000000x64xf32, #tpu.memory_space<hbm>> -> memref<1000000x64xf32, #tpu.memory_space<hbm>>
      tpu.enqueue_indirect_dma source(%dma_start3A_243 : memref<1000000x64xf32, #tpu.memory_space<hbm>>) target(%arg9 : memref<256x64xf32, #tpu.memory_space<vmem>>) offsets(%dma_start3A_240 : memref<256xi32, #tpu.memory_space<vmem>>) semaphore(%arg13 : memref<!tpu.dma_semaphore, #tpu.memory_space<semaphore_mem>>)
      %add3A_244 = arith.constant 1 : i32
      %add3A_245 = arith.addi %mul3A_207, %add3A_244 : i32
      %mul3A_246 = arith.constant 256 : i32
      %mul3A_247 = arith.muli %add3A_245, %mul3A_246 : i32
      %dma_wait3A_248 = tpu.memref_slice %arg5[%mul3A_247] : memref<25600xi32, #tpu.memory_space<vmem>> -> memref<256xi32, #tpu.memory_space<vmem>>
      %dma_wait3A_249 = arith.constant 0 : i32
      %dma_wait3A_250 = arith.constant 0 : i32
      %dma_wait3A_251 = tpu.memref_slice %arg3[%dma_wait3A_249, %dma_wait3A_250] : memref<1000000x64xf32, #tpu.memory_space<hbm>> -> memref<1000000x64xf32, #tpu.memory_space<hbm>>
      tpu.wait_indirect_dma semaphore(%arg11 : memref<!tpu.dma_semaphore, #tpu.memory_space<semaphore_mem>>) src(%dma_wait3A_251 : memref<1000000x64xf32, #tpu.memory_space<hbm>>) dst(%arg7 : memref<256x64xf32, #tpu.memory_space<vmem>>)
      %parallel_loop3A_252 = arith.constant 0 : i32
      %parallel_loop3A_253 = arith.constant 256 : i32
      %parallel_loop3A_254 = arith.constant 1 : i32
      scf.for %parallel_loop3A_355 = %parallel_loop3A_252 to %parallel_loop3A_253 step %parallel_loop3A_254  : i32 {
        %parallel_loop3A_356 = arith.index_cast %parallel_loop3A_355 : i32 to index
        %parallel_loop3A_357 = arith.constant 0 : index
        %parallel_loop3A_358 = tpu.vector_load %arg7[%parallel_loop3A_356, %parallel_loop3A_357] {strides = array<i32>} : memref<256x64xf32, #tpu.memory_space<vmem>>, vector<1x16xf32>,
        %parallel_loop3A_359 = vector.shape_cast %parallel_loop3A_358 : vector<1x16xf32> to vector<16xf32>
        %parallel_loop3A_360 = arith.constant 8.000000e+00 : f32
        %parallel_loop3A_361 = vector.broadcast %parallel_loop3A_360 : f32 to vector<16xf32>
        %parallel_loop3A_362 = arith.mulf %parallel_loop3A_359, %parallel_loop3A_361 : vector<16xf32>
        %parallel_loop3A_363 = arith.index_cast %parallel_loop3A_355 : i32 to index
        %parallel_loop3A_364 = arith.constant 0 : index
        %parallel_loop3A_365 = tpu.vector_load %arg7[%parallel_loop3A_363, %parallel_loop3A_364] {strides = array<i32>} : memref<256x64xf32, #tpu.memory_space<vmem>>, vector<1x16xf32>,
        %parallel_loop3A_366 = vector.shape_cast %parallel_loop3A_365 : vector<1x16xf32> to vector<16xf32>
        %parallel_loop3A_367 = vector.shape_cast %parallel_loop3A_362 : vector<16xf32> to vector<1x16xf32>
        tpu.vector_store %arg7[%parallel_loop3A_363, %parallel_loop3A_364], %parallel_loop3A_367 {strides = array<i32>} : memref<256x64xf32, #tpu.memory_space<vmem>>, vector<1x16xf32>,
        %parallel_loop3A_368 = arith.index_cast %parallel_loop3A_355 : i32 to index
        %parallel_loop3A_369 = arith.constant 16 : index
        %parallel_loop3A_370 = tpu.vector_load %arg7[%parallel_loop3A_368, %parallel_loop3A_369] {strides = array<i32>} : memref<256x64xf32, #tpu.memory_space<vmem>>, vector<1x16xf32>,
        %parallel_loop3A_371 = vector.shape_cast %parallel_loop3A_370 : vector<1x16xf32> to vector<16xf32>
        %parallel_loop3A_372 = arith.constant 8.000000e+00 : f32
        %parallel_loop3A_373 = vector.broadcast %parallel_loop3A_372 : f32 to vector<16xf32>
        %parallel_loop3A_374 = arith.mulf %parallel_loop3A_371, %parallel_loop3A_373 : vector<16xf32>
        %parallel_loop3A_375 = arith.index_cast %parallel_loop3A_355 : i32 to index
        %parallel_loop3A_376 = arith.constant 16 : index
        %parallel_loop3A_377 = tpu.vector_load %arg7[%parallel_loop3A_375, %parallel_loop3A_376] {strides = array<i32>} : memref<256x64xf32, #tpu.memory_space<vmem>>, vector<1x16xf32>,
        %parallel_loop3A_378 = vector.shape_cast %parallel_loop3A_377 : vector<1x16xf32> to vector<16xf32>
        %parallel_loop3A_379 = vector.shape_cast %parallel_loop3A_374 : vector<16xf32> to vector<1x16xf32>
        tpu.vector_store %arg7[%parallel_loop3A_375, %parallel_loop3A_376], %parallel_loop3A_379 {strides = array<i32>} : memref<256x64xf32, #tpu.memory_space<vmem>>, vector<1x16xf32>,
        %parallel_loop3A_380 = arith.index_cast %parallel_loop3A_355 : i32 to index
        %parallel_loop3A_381 = arith.constant 32 : index
        %parallel_loop3A_382 = tpu.vector_load %arg7[%parallel_loop3A_380, %parallel_loop3A_381] {strides = array<i32>} : memref<256x64xf32, #tpu.memory_space<vmem>>, vector<1x16xf32>,
        %parallel_loop3A_383 = vector.shape_cast %parallel_loop3A_382 : vector<1x16xf32> to vector<16xf32>
        %parallel_loop3A_384 = arith.constant 8.000000e+00 : f32
        %parallel_loop3A_385 = vector.broadcast %parallel_loop3A_384 : f32 to vector<16xf32>
        %parallel_loop3A_386 = arith.mulf %parallel_loop3A_383, %parallel_loop3A_385 : vector<16xf32>
        %parallel_loop3A_387 = arith.index_cast %parallel_loop3A_355 : i32 to index
        %parallel_loop3A_388 = arith.constant 32 : index
        %parallel_loop3A_389 = tpu.vector_load %arg7[%parallel_loop3A_387, %parallel_loop3A_388] {strides = array<i32>} : memref<256x64xf32, #tpu.memory_space<vmem>>, vector<1x16xf32>,
        %parallel_loop3A_390 = vector.shape_cast %parallel_loop3A_389 : vector<1x16xf32> to vector<16xf32>
        %parallel_loop3A_391 = vector.shape_cast %parallel_loop3A_386 : vector<16xf32> to vector<1x16xf32>
        tpu.vector_store %arg7[%parallel_loop3A_387, %parallel_loop3A_388], %parallel_loop3A_391 {strides = array<i32>} : memref<256x64xf32, #tpu.memory_space<vmem>>, vector<1x16xf32>,
        %parallel_loop3A_392 = arith.index_cast %parallel_loop3A_355 : i32 to index
        %parallel_loop3A_393 = arith.constant 48 : index
        %parallel_loop3A_394 = tpu.vector_load %arg7[%parallel_loop3A_392, %parallel_loop3A_393] {strides = array<i32>} : memref<256x64xf32, #tpu.memory_space<vmem>>, vector<1x16xf32>,
        %parallel_loop3A_395 = vector.shape_cast %parallel_loop3A_394 : vector<1x16xf32> to vector<16xf32>
        %parallel_loop3A_396 = arith.constant 8.000000e+00 : f32
        %parallel_loop3A_397 = vector.broadcast %parallel_loop3A_396 : f32 to vector<16xf32>
        %parallel_loop3A_398 = arith.mulf %parallel_loop3A_395, %parallel_loop3A_397 : vector<16xf32>
        %parallel_loop3A_399 = arith.index_cast %parallel_loop3A_355 : i32 to index
        %parallel_loop3A_400 = arith.constant 48 : index
        %parallel_loop3A_401 = tpu.vector_load %arg7[%parallel_loop3A_399, %parallel_loop3A_400] {strides = array<i32>} : memref<256x64xf32, #tpu.memory_space<vmem>>, vector<1x16xf32>,
        %parallel_loop3A_402 = vector.shape_cast %parallel_loop3A_401 : vector<1x16xf32> to vector<16xf32>
        %parallel_loop3A_403 = vector.shape_cast %parallel_loop3A_398 : vector<16xf32> to vector<1x16xf32>
        tpu.vector_store %arg7[%parallel_loop3A_399, %parallel_loop3A_400], %parallel_loop3A_403 {strides = array<i32>} : memref<256x64xf32, #tpu.memory_space<vmem>>, vector<1x16xf32>,
      } {sc.loop_unroll_factor = 4 : i64, sc.parallel_access}
      %mul3A_255 = arith.constant 256 : i32
      %mul3A_256 = arith.muli %add3A_245, %mul3A_255 : i32
      %add3A_257 = arith.addi %mul3A_2, %mul3A_256 : i32
      %dma_start3A_258 = arith.constant 0 : i32
      %dma_start3A_259 = tpu.memref_slice %arg4[%add3A_257, %dma_start3A_258] : memref<819200x64xf32, #tpu.memory_space<hbm>> -> memref<256x64xf32, #tpu.memory_space<hbm>>
      %dma_start3A_260 = arith.constant 0 : i32
      %dma_start3A_261 = tpu.memref_slice %arg4[%add3A_257, %dma_start3A_260] : memref<819200x64xf32, #tpu.memory_space<hbm>> -> memref<256x64xf32, #tpu.memory_space<hbm>>
      tpu.enqueue_dma source(%arg7 : memref<256x64xf32, #tpu.memory_space<vmem>>) target(%dma_start3A_261 : memref<256x64xf32, #tpu.memory_space<hbm>>) target_semaphore(%arg15 : memref<!tpu.dma_semaphore, #tpu.memory_space<semaphore_mem>>)
      %sub3A_262 = arith.constant 1 : i32
      %sub3A_263 = arith.subi %add3A_245, %sub3A_262 : i32
      %mul3A_264 = arith.constant 256 : i32
      %mul3A_265 = arith.muli %sub3A_263, %mul3A_264 : i32
      %add3A_266 = arith.addi %mul3A_2, %mul3A_265 : i32
      %dma_wait3A_267 = arith.constant 0 : i32
      %dma_wait3A_268 = tpu.memref_slice %arg4[%add3A_266, %dma_wait3A_267] : memref<819200x64xf32, #tpu.memory_space<hbm>> -> memref<256x64xf32, #tpu.memory_space<hbm>>
      %dma_wait3A_269 = arith.constant 0 : i32
      %dma_wait3A_270 = tpu.memref_slice %arg4[%add3A_266, %dma_wait3A_269] : memref<819200x64xf32, #tpu.memory_space<hbm>> -> memref<256x64xf32, #tpu.memory_space<hbm>>
      tpu.wait_dma2 semaphore(%arg14 : memref<!tpu.dma_semaphore, #tpu.memory_space<semaphore_mem>>) src(%arg6 : memref<256x64xf32, #tpu.memory_space<vmem>>) dst(%dma_wait3A_270 : memref<256x64xf32, #tpu.memory_space<hbm>>)
      %sub3A_271 = arith.constant 1 : i32
      %sub3A_272 = arith.subi %add3A_245, %sub3A_271 : i32
      %add3A_273 = arith.constant 4 : i32
      %add3A_274 = arith.addi %sub3A_272, %add3A_273 : i32
      %mul3A_275 = arith.constant 256 : i32
      %mul3A_276 = arith.muli %add3A_274, %mul3A_275 : i32
      %dma_start3A_277 = tpu.memref_slice %arg5[%mul3A_276] : memref<25600xi32, #tpu.memory_space<vmem>> -> memref<256xi32, #tpu.memory_space<vmem>>
      %dma_start3A_278 = arith.constant 0 : i32
      %dma_start3A_279 = arith.constant 0 : i32
      %dma_start3A_280 = tpu.memref_slice %arg3[%dma_start3A_278, %dma_start3A_279] : memref<1000000x64xf32, #tpu.memory_space<hbm>> -> memref<1000000x64xf32, #tpu.memory_space<hbm>>
      tpu.enqueue_indirect_dma source(%dma_start3A_280 : memref<1000000x64xf32, #tpu.memory_space<hbm>>) target(%arg6 : memref<256x64xf32, #tpu.memory_space<vmem>>) offsets(%dma_start3A_277 : memref<256xi32, #tpu.memory_space<vmem>>) semaphore(%arg10 : memref<!tpu.dma_semaphore, #tpu.memory_space<semaphore_mem>>)
      %add3A_281 = arith.constant 2 : i32
      %add3A_282 = arith.addi %mul3A_207, %add3A_281 : i32
      %mul3A_283 = arith.constant 256 : i32
      %mul3A_284 = arith.muli %add3A_282, %mul3A_283 : i32
      %dma_wait3A_285 = tpu.memref_slice %arg5[%mul3A_284] : memref<25600xi32, #tpu.memory_space<vmem>> -> memref<256xi32, #tpu.memory_space<vmem>>
      %dma_wait3A_286 = arith.constant 0 : i32
      %dma_wait3A_287 = arith.constant 0 : i32
      %dma_wait3A_288 = tpu.memref_slice %arg3[%dma_wait3A_286, %dma_wait3A_287] : memref<1000000x64xf32, #tpu.memory_space<hbm>> -> memref<1000000x64xf32, #tpu.memory_space<hbm>>
      tpu.wait_indirect_dma semaphore(%arg12 : memref<!tpu.dma_semaphore, #tpu.memory_space<semaphore_mem>>) src(%dma_wait3A_288 : memref<1000000x64xf32, #tpu.memory_space<hbm>>) dst(%arg8 : memref<256x64xf32, #tpu.memory_space<vmem>>)
      %parallel_loop3A_289 = arith.constant 0 : i32
      %parallel_loop3A_290 = arith.constant 256 : i32
      %parallel_loop3A_291 = arith.constant 1 : i32
      scf.for %parallel_loop3A_355 = %parallel_loop3A_289 to %parallel_loop3A_290 step %parallel_loop3A_291  : i32 {
        %parallel_loop3A_356 = arith.index_cast %parallel_loop3A_355 : i32 to index
        %parallel_loop3A_357 = arith.constant 0 : index
        %parallel_loop3A_358 = tpu.vector_load %arg8[%parallel_loop3A_356, %parallel_loop3A_357] {strides = array<i32>} : memref<256x64xf32, #tpu.memory_space<vmem>>, vector<1x16xf32>,
        %parallel_loop3A_359 = vector.shape_cast %parallel_loop3A_358 : vector<1x16xf32> to vector<16xf32>
        %parallel_loop3A_360 = arith.constant 8.000000e+00 : f32
        %parallel_loop3A_361 = vector.broadcast %parallel_loop3A_360 : f32 to vector<16xf32>
        %parallel_loop3A_362 = arith.mulf %parallel_loop3A_359, %parallel_loop3A_361 : vector<16xf32>
        %parallel_loop3A_363 = arith.index_cast %parallel_loop3A_355 : i32 to index
        %parallel_loop3A_364 = arith.constant 0 : index
        %parallel_loop3A_365 = tpu.vector_load %arg8[%parallel_loop3A_363, %parallel_loop3A_364] {strides = array<i32>} : memref<256x64xf32, #tpu.memory_space<vmem>>, vector<1x16xf32>,
        %parallel_loop3A_366 = vector.shape_cast %parallel_loop3A_365 : vector<1x16xf32> to vector<16xf32>
        %parallel_loop3A_367 = vector.shape_cast %parallel_loop3A_362 : vector<16xf32> to vector<1x16xf32>
        tpu.vector_store %arg8[%parallel_loop3A_363, %parallel_loop3A_364], %parallel_loop3A_367 {strides = array<i32>} : memref<256x64xf32, #tpu.memory_space<vmem>>, vector<1x16xf32>,
        %parallel_loop3A_368 = arith.index_cast %parallel_loop3A_355 : i32 to index
        %parallel_loop3A_369 = arith.constant 16 : index
        %parallel_loop3A_370 = tpu.vector_load %arg8[%parallel_loop3A_368, %parallel_loop3A_369] {strides = array<i32>} : memref<256x64xf32, #tpu.memory_space<vmem>>, vector<1x16xf32>,
        %parallel_loop3A_371 = vector.shape_cast %parallel_loop3A_370 : vector<1x16xf32> to vector<16xf32>
        %parallel_loop3A_372 = arith.constant 8.000000e+00 : f32
        %parallel_loop3A_373 = vector.broadcast %parallel_loop3A_372 : f32 to vector<16xf32>
        %parallel_loop3A_374 = arith.mulf %parallel_loop3A_371, %parallel_loop3A_373 : vector<16xf32>
        %parallel_loop3A_375 = arith.index_cast %parallel_loop3A_355 : i32 to index
        %parallel_loop3A_376 = arith.constant 16 : index
        %parallel_loop3A_377 = tpu.vector_load %arg8[%parallel_loop3A_375, %parallel_loop3A_376] {strides = array<i32>} : memref<256x64xf32, #tpu.memory_space<vmem>>, vector<1x16xf32>,
        %parallel_loop3A_378 = vector.shape_cast %parallel_loop3A_377 : vector<1x16xf32> to vector<16xf32>
        %parallel_loop3A_379 = vector.shape_cast %parallel_loop3A_374 : vector<16xf32> to vector<1x16xf32>
        tpu.vector_store %arg8[%parallel_loop3A_375, %parallel_loop3A_376], %parallel_loop3A_379 {strides = array<i32>} : memref<256x64xf32, #tpu.memory_space<vmem>>, vector<1x16xf32>,
        %parallel_loop3A_380 = arith.index_cast %parallel_loop3A_355 : i32 to index
        %parallel_loop3A_381 = arith.constant 32 : index
        %parallel_loop3A_382 = tpu.vector_load %arg8[%parallel_loop3A_380, %parallel_loop3A_381] {strides = array<i32>} : memref<256x64xf32, #tpu.memory_space<vmem>>, vector<1x16xf32>,
        %parallel_loop3A_383 = vector.shape_cast %parallel_loop3A_382 : vector<1x16xf32> to vector<16xf32>
        %parallel_loop3A_384 = arith.constant 8.000000e+00 : f32
        %parallel_loop3A_385 = vector.broadcast %parallel_loop3A_384 : f32 to vector<16xf32>
        %parallel_loop3A_386 = arith.mulf %parallel_loop3A_383, %parallel_loop3A_385 : vector<16xf32>
        %parallel_loop3A_387 = arith.index_cast %parallel_loop3A_355 : i32 to index
        %parallel_loop3A_388 = arith.constant 32 : index
        %parallel_loop3A_389 = tpu.vector_load %arg8[%parallel_loop3A_387, %parallel_loop3A_388] {strides = array<i32>} : memref<256x64xf32, #tpu.memory_space<vmem>>, vector<1x16xf32>,
        %parallel_loop3A_390 = vector.shape_cast %parallel_loop3A_389 : vector<1x16xf32> to vector<16xf32>
        %parallel_loop3A_391 = vector.shape_cast %parallel_loop3A_386 : vector<16xf32> to vector<1x16xf32>
        tpu.vector_store %arg8[%parallel_loop3A_387, %parallel_loop3A_388], %parallel_loop3A_391 {strides = array<i32>} : memref<256x64xf32, #tpu.memory_space<vmem>>, vector<1x16xf32>,
        %parallel_loop3A_392 = arith.index_cast %parallel_loop3A_355 : i32 to index
        %parallel_loop3A_393 = arith.constant 48 : index
        %parallel_loop3A_394 = tpu.vector_load %arg8[%parallel_loop3A_392, %parallel_loop3A_393] {strides = array<i32>} : memref<256x64xf32, #tpu.memory_space<vmem>>, vector<1x16xf32>,
        %parallel_loop3A_395 = vector.shape_cast %parallel_loop3A_394 : vector<1x16xf32> to vector<16xf32>
        %parallel_loop3A_396 = arith.constant 8.000000e+00 : f32
        %parallel_loop3A_397 = vector.broadcast %parallel_loop3A_396 : f32 to vector<16xf32>
        %parallel_loop3A_398 = arith.mulf %parallel_loop3A_395, %parallel_loop3A_397 : vector<16xf32>
        %parallel_loop3A_399 = arith.index_cast %parallel_loop3A_355 : i32 to index
        %parallel_loop3A_400 = arith.constant 48 : index
        %parallel_loop3A_401 = tpu.vector_load %arg8[%parallel_loop3A_399, %parallel_loop3A_400] {strides = array<i32>} : memref<256x64xf32, #tpu.memory_space<vmem>>, vector<1x16xf32>,
        %parallel_loop3A_402 = vector.shape_cast %parallel_loop3A_401 : vector<1x16xf32> to vector<16xf32>
        %parallel_loop3A_403 = vector.shape_cast %parallel_loop3A_398 : vector<16xf32> to vector<1x16xf32>
        tpu.vector_store %arg8[%parallel_loop3A_399, %parallel_loop3A_400], %parallel_loop3A_403 {strides = array<i32>} : memref<256x64xf32, #tpu.memory_space<vmem>>, vector<1x16xf32>,
      } {sc.loop_unroll_factor = 4 : i64, sc.parallel_access}
      %mul3A_292 = arith.constant 256 : i32
      %mul3A_293 = arith.muli %add3A_282, %mul3A_292 : i32
      %add3A_294 = arith.addi %mul3A_2, %mul3A_293 : i32
      %dma_start3A_295 = arith.constant 0 : i32
      %dma_start3A_296 = tpu.memref_slice %arg4[%add3A_294, %dma_start3A_295] : memref<819200x64xf32, #tpu.memory_space<hbm>> -> memref<256x64xf32, #tpu.memory_space<hbm>>
      %dma_start3A_297 = arith.constant 0 : i32
      %dma_start3A_298 = tpu.memref_slice %arg4[%add3A_294, %dma_start3A_297] : memref<819200x64xf32, #tpu.memory_space<hbm>> -> memref<256x64xf32, #tpu.memory_space<hbm>>
      tpu.enqueue_dma source(%arg8 : memref<256x64xf32, #tpu.memory_space<vmem>>) target(%dma_start3A_298 : memref<256x64xf32, #tpu.memory_space<hbm>>) target_semaphore(%arg16 : memref<!tpu.dma_semaphore, #tpu.memory_space<semaphore_mem>>)
      %sub3A_299 = arith.constant 1 : i32
      %sub3A_300 = arith.subi %add3A_282, %sub3A_299 : i32
      %mul3A_301 = arith.constant 256 : i32
      %mul3A_302 = arith.muli %sub3A_300, %mul3A_301 : i32
      %add3A_303 = arith.addi %mul3A_2, %mul3A_302 : i32
      %dma_wait3A_304 = arith.constant 0 : i32
      %dma_wait3A_305 = tpu.memref_slice %arg4[%add3A_303, %dma_wait3A_304] : memref<819200x64xf32, #tpu.memory_space<hbm>> -> memref<256x64xf32, #tpu.memory_space<hbm>>
      %dma_wait3A_306 = arith.constant 0 : i32
      %dma_wait3A_307 = tpu.memref_slice %arg4[%add3A_303, %dma_wait3A_306] : memref<819200x64xf32, #tpu.memory_space<hbm>> -> memref<256x64xf32, #tpu.memory_space<hbm>>
      tpu.wait_dma2 semaphore(%arg15 : memref<!tpu.dma_semaphore, #tpu.memory_space<semaphore_mem>>) src(%arg7 : memref<256x64xf32, #tpu.memory_space<vmem>>) dst(%dma_wait3A_307 : memref<256x64xf32, #tpu.memory_space<hbm>>)
      %sub3A_308 = arith.constant 1 : i32
      %sub3A_309 = arith.subi %add3A_282, %sub3A_308 : i32
      %add3A_310 = arith.constant 4 : i32
      %add3A_311 = arith.addi %sub3A_309, %add3A_310 : i32
      %mul3A_312 = arith.constant 256 : i32
      %mul3A_313 = arith.muli %add3A_311, %mul3A_312 : i32
      %dma_start3A_314 = tpu.memref_slice %arg5[%mul3A_313] : memref<25600xi32, #tpu.memory_space<vmem>> -> memref<256xi32, #tpu.memory_space<vmem>>
      %dma_start3A_315 = arith.constant 0 : i32
      %dma_start3A_316 = arith.constant 0 : i32
      %dma_start3A_317 = tpu.memref_slice %arg3[%dma_start3A_315, %dma_start3A_316] : memref<1000000x64xf32, #tpu.memory_space<hbm>> -> memref<1000000x64xf32, #tpu.memory_space<hbm>>
      tpu.enqueue_indirect_dma source(%dma_start3A_317 : memref<1000000x64xf32, #tpu.memory_space<hbm>>) target(%arg7 : memref<256x64xf32, #tpu.memory_space<vmem>>) offsets(%dma_start3A_314 : memref<256xi32, #tpu.memory_space<vmem>>) semaphore(%arg11 : memref<!tpu.dma_semaphore, #tpu.memory_space<semaphore_mem>>)
      %add3A_318 = arith.constant 3 : i32
      %add3A_319 = arith.addi %mul3A_207, %add3A_318 : i32
      %mul3A_320 = arith.constant 256 : i32
      %mul3A_321 = arith.muli %add3A_319, %mul3A_320 : i32
      %dma_wait3A_322 = tpu.memref_slice %arg5[%mul3A_321] : memref<25600xi32, #tpu.memory_space<vmem>> -> memref<256xi32, #tpu.memory_space<vmem>>
      %dma_wait3A_323 = arith.constant 0 : i32
      %dma_wait3A_324 = arith.constant 0 : i32
      %dma_wait3A_325 = tpu.memref_slice %arg3[%dma_wait3A_323, %dma_wait3A_324] : memref<1000000x64xf32, #tpu.memory_space<hbm>> -> memref<1000000x64xf32, #tpu.memory_space<hbm>>
      tpu.wait_indirect_dma semaphore(%arg13 : memref<!tpu.dma_semaphore, #tpu.memory_space<semaphore_mem>>) src(%dma_wait3A_325 : memref<1000000x64xf32, #tpu.memory_space<hbm>>) dst(%arg9 : memref<256x64xf32, #tpu.memory_space<vmem>>)
      %parallel_loop3A_326 = arith.constant 0 : i32
      %parallel_loop3A_327 = arith.constant 256 : i32
      %parallel_loop3A_328 = arith.constant 1 : i32
      scf.for %parallel_loop3A_355 = %parallel_loop3A_326 to %parallel_loop3A_327 step %parallel_loop3A_328  : i32 {
        %parallel_loop3A_356 = arith.index_cast %parallel_loop3A_355 : i32 to index
        %parallel_loop3A_357 = arith.constant 0 : index
        %parallel_loop3A_358 = tpu.vector_load %arg9[%parallel_loop3A_356, %parallel_loop3A_357] {strides = array<i32>} : memref<256x64xf32, #tpu.memory_space<vmem>>, vector<1x16xf32>,
        %parallel_loop3A_359 = vector.shape_cast %parallel_loop3A_358 : vector<1x16xf32> to vector<16xf32>
        %parallel_loop3A_360 = arith.constant 8.000000e+00 : f32
        %parallel_loop3A_361 = vector.broadcast %parallel_loop3A_360 : f32 to vector<16xf32>
        %parallel_loop3A_362 = arith.mulf %parallel_loop3A_359, %parallel_loop3A_361 : vector<16xf32>
        %parallel_loop3A_363 = arith.index_cast %parallel_loop3A_355 : i32 to index
        %parallel_loop3A_364 = arith.constant 0 : index
        %parallel_loop3A_365 = tpu.vector_load %arg9[%parallel_loop3A_363, %parallel_loop3A_364] {strides = array<i32>} : memref<256x64xf32, #tpu.memory_space<vmem>>, vector<1x16xf32>,
        %parallel_loop3A_366 = vector.shape_cast %parallel_loop3A_365 : vector<1x16xf32> to vector<16xf32>
        %parallel_loop3A_367 = vector.shape_cast %parallel_loop3A_362 : vector<16xf32> to vector<1x16xf32>
        tpu.vector_store %arg9[%parallel_loop3A_363, %parallel_loop3A_364], %parallel_loop3A_367 {strides = array<i32>} : memref<256x64xf32, #tpu.memory_space<vmem>>, vector<1x16xf32>,
        %parallel_loop3A_368 = arith.index_cast %parallel_loop3A_355 : i32 to index
        %parallel_loop3A_369 = arith.constant 16 : index
        %parallel_loop3A_370 = tpu.vector_load %arg9[%parallel_loop3A_368, %parallel_loop3A_369] {strides = array<i32>} : memref<256x64xf32, #tpu.memory_space<vmem>>, vector<1x16xf32>,
        %parallel_loop3A_371 = vector.shape_cast %parallel_loop3A_370 : vector<1x16xf32> to vector<16xf32>
        %parallel_loop3A_372 = arith.constant 8.000000e+00 : f32
        %parallel_loop3A_373 = vector.broadcast %parallel_loop3A_372 : f32 to vector<16xf32>
        %parallel_loop3A_374 = arith.mulf %parallel_loop3A_371, %parallel_loop3A_373 : vector<16xf32>
        %parallel_loop3A_375 = arith.index_cast %parallel_loop3A_355 : i32 to index
        %parallel_loop3A_376 = arith.constant 16 : index
        %parallel_loop3A_377 = tpu.vector_load %arg9[%parallel_loop3A_375, %parallel_loop3A_376] {strides = array<i32>} : memref<256x64xf32, #tpu.memory_space<vmem>>, vector<1x16xf32>,
        %parallel_loop3A_378 = vector.shape_cast %parallel_loop3A_377 : vector<1x16xf32> to vector<16xf32>
        %parallel_loop3A_379 = vector.shape_cast %parallel_loop3A_374 : vector<16xf32> to vector<1x16xf32>
        tpu.vector_store %arg9[%parallel_loop3A_375, %parallel_loop3A_376], %parallel_loop3A_379 {strides = array<i32>} : memref<256x64xf32, #tpu.memory_space<vmem>>, vector<1x16xf32>,
        %parallel_loop3A_380 = arith.index_cast %parallel_loop3A_355 : i32 to index
        %parallel_loop3A_381 = arith.constant 32 : index
        %parallel_loop3A_382 = tpu.vector_load %arg9[%parallel_loop3A_380, %parallel_loop3A_381] {strides = array<i32>} : memref<256x64xf32, #tpu.memory_space<vmem>>, vector<1x16xf32>,
        %parallel_loop3A_383 = vector.shape_cast %parallel_loop3A_382 : vector<1x16xf32> to vector<16xf32>
        %parallel_loop3A_384 = arith.constant 8.000000e+00 : f32
        %parallel_loop3A_385 = vector.broadcast %parallel_loop3A_384 : f32 to vector<16xf32>
        %parallel_loop3A_386 = arith.mulf %parallel_loop3A_383, %parallel_loop3A_385 : vector<16xf32>
        %parallel_loop3A_387 = arith.index_cast %parallel_loop3A_355 : i32 to index
        %parallel_loop3A_388 = arith.constant 32 : index
        %parallel_loop3A_389 = tpu.vector_load %arg9[%parallel_loop3A_387, %parallel_loop3A_388] {strides = array<i32>} : memref<256x64xf32, #tpu.memory_space<vmem>>, vector<1x16xf32>,
        %parallel_loop3A_390 = vector.shape_cast %parallel_loop3A_389 : vector<1x16xf32> to vector<16xf32>
        %parallel_loop3A_391 = vector.shape_cast %parallel_loop3A_386 : vector<16xf32> to vector<1x16xf32>
        tpu.vector_store %arg9[%parallel_loop3A_387, %parallel_loop3A_388], %parallel_loop3A_391 {strides = array<i32>} : memref<256x64xf32, #tpu.memory_space<vmem>>, vector<1x16xf32>,
        %parallel_loop3A_392 = arith.index_cast %parallel_loop3A_355 : i32 to index
        %parallel_loop3A_393 = arith.constant 48 : index
        %parallel_loop3A_394 = tpu.vector_load %arg9[%parallel_loop3A_392, %parallel_loop3A_393] {strides = array<i32>} : memref<256x64xf32, #tpu.memory_space<vmem>>, vector<1x16xf32>,
        %parallel_loop3A_395 = vector.shape_cast %parallel_loop3A_394 : vector<1x16xf32> to vector<16xf32>
        %parallel_loop3A_396 = arith.constant 8.000000e+00 : f32
        %parallel_loop3A_397 = vector.broadcast %parallel_loop3A_396 : f32 to vector<16xf32>
        %parallel_loop3A_398 = arith.mulf %parallel_loop3A_395, %parallel_loop3A_397 : vector<16xf32>
        %parallel_loop3A_399 = arith.index_cast %parallel_loop3A_355 : i32 to index
        %parallel_loop3A_400 = arith.constant 48 : index
        %parallel_loop3A_401 = tpu.vector_load %arg9[%parallel_loop3A_399, %parallel_loop3A_400] {strides = array<i32>} : memref<256x64xf32, #tpu.memory_space<vmem>>, vector<1x16xf32>,
        %parallel_loop3A_402 = vector.shape_cast %parallel_loop3A_401 : vector<1x16xf32> to vector<16xf32>
        %parallel_loop3A_403 = vector.shape_cast %parallel_loop3A_398 : vector<16xf32> to vector<1x16xf32>
        tpu.vector_store %arg9[%parallel_loop3A_399, %parallel_loop3A_400], %parallel_loop3A_403 {strides = array<i32>} : memref<256x64xf32, #tpu.memory_space<vmem>>, vector<1x16xf32>,
      } {sc.loop_unroll_factor = 4 : i64, sc.parallel_access}
      %mul3A_329 = arith.constant 256 : i32
      %mul3A_330 = arith.muli %add3A_319, %mul3A_329 : i32
      %add3A_331 = arith.addi %mul3A_2, %mul3A_330 : i32
      %dma_start3A_332 = arith.constant 0 : i32
      %dma_start3A_333 = tpu.memref_slice %arg4[%add3A_331, %dma_start3A_332] : memref<819200x64xf32, #tpu.memory_space<hbm>> -> memref<256x64xf32, #tpu.memory_space<hbm>>
      %dma_start3A_334 = arith.constant 0 : i32
      %dma_start3A_335 = tpu.memref_slice %arg4[%add3A_331, %dma_start3A_334] : memref<819200x64xf32, #tpu.memory_space<hbm>> -> memref<256x64xf32, #tpu.memory_space<hbm>>
      tpu.enqueue_dma source(%arg9 : memref<256x64xf32, #tpu.memory_space<vmem>>) target(%dma_start3A_335 : memref<256x64xf32, #tpu.memory_space<hbm>>) target_semaphore(%arg17 : memref<!tpu.dma_semaphore, #tpu.memory_space<semaphore_mem>>)
      %sub3A_336 = arith.constant 1 : i32
      %sub3A_337 = arith.subi %add3A_319, %sub3A_336 : i32
      %mul3A_338 = arith.constant 256 : i32
      %mul3A_339 = arith.muli %sub3A_337, %mul3A_338 : i32
      %add3A_340 = arith.addi %mul3A_2, %mul3A_339 : i32
      %dma_wait3A_341 = arith.constant 0 : i32
      %dma_wait3A_342 = tpu.memref_slice %arg4[%add3A_340, %dma_wait3A_341] : memref<819200x64xf32, #tpu.memory_space<hbm>> -> memref<256x64xf32, #tpu.memory_space<hbm>>
      %dma_wait3A_343 = arith.constant 0 : i32
      %dma_wait3A_344 = tpu.memref_slice %arg4[%add3A_340, %dma_wait3A_343] : memref<819200x64xf32, #tpu.memory_space<hbm>> -> memref<256x64xf32, #tpu.memory_space<hbm>>
      tpu.wait_dma2 semaphore(%arg16 : memref<!tpu.dma_semaphore, #tpu.memory_space<semaphore_mem>>) src(%arg8 : memref<256x64xf32, #tpu.memory_space<vmem>>) dst(%dma_wait3A_344 : memref<256x64xf32, #tpu.memory_space<hbm>>)
      %sub3A_345 = arith.constant 1 : i32
      %sub3A_346 = arith.subi %add3A_319, %sub3A_345 : i32
      %add3A_347 = arith.constant 4 : i32
      %add3A_348 = arith.addi %sub3A_346, %add3A_347 : i32
      %mul3A_349 = arith.constant 256 : i32
      %mul3A_350 = arith.muli %add3A_348, %mul3A_349 : i32
      %dma_start3A_351 = tpu.memref_slice %arg5[%mul3A_350] : memref<25600xi32, #tpu.memory_space<vmem>> -> memref<256xi32, #tpu.memory_space<vmem>>
      %dma_start3A_352 = arith.constant 0 : i32
      %dma_start3A_353 = arith.constant 0 : i32
      %dma_start3A_354 = tpu.memref_slice %arg3[%dma_start3A_352, %dma_start3A_353] : memref<1000000x64xf32, #tpu.memory_space<hbm>> -> memref<1000000x64xf32, #tpu.memory_space<hbm>>
      tpu.enqueue_indirect_dma source(%dma_start3A_354 : memref<1000000x64xf32, #tpu.memory_space<hbm>>) target(%arg8 : memref<256x64xf32, #tpu.memory_space<vmem>>) offsets(%dma_start3A_351 : memref<256xi32, #tpu.memory_space<vmem>>) semaphore(%arg12 : memref<!tpu.dma_semaphore, #tpu.memory_space<semaphore_mem>>)
    }
    %scan3A_113 = arith.constant 23 : i32
    %dma_wait3A_114 = arith.constant 24576 : i32
    %dma_wait3A_115 = tpu.memref_slice %arg5[%dma_wait3A_114] : memref<25600xi32, #tpu.memory_space<vmem>> -> memref<256xi32, #tpu.memory_space<vmem>>
    %dma_wait3A_116 = arith.constant 0 : i32
    %dma_wait3A_117 = arith.constant 0 : i32
    %dma_wait3A_118 = tpu.memref_slice %arg3[%dma_wait3A_116, %dma_wait3A_117] : memref<1000000x64xf32, #tpu.memory_space<hbm>> -> memref<1000000x64xf32, #tpu.memory_space<hbm>>
    tpu.wait_indirect_dma semaphore(%arg10 : memref<!tpu.dma_semaphore, #tpu.memory_space<semaphore_mem>>) src(%dma_wait3A_118 : memref<1000000x64xf32, #tpu.memory_space<hbm>>) dst(%arg6 : memref<256x64xf32, #tpu.memory_space<vmem>>)
    %parallel_loop3A_119 = arith.constant 0 : i32
    %parallel_loop3A_120 = arith.constant 256 : i32
    %parallel_loop3A_121 = arith.constant 1 : i32
    scf.for %parallel_loop3A_205 = %parallel_loop3A_119 to %parallel_loop3A_120 step %parallel_loop3A_121  : i32 {
      %parallel_loop3A_206 = arith.index_cast %parallel_loop3A_205 : i32 to index
      %parallel_loop3A_207 = arith.constant 0 : index
      %parallel_loop3A_208 = tpu.vector_load %arg6[%parallel_loop3A_206, %parallel_loop3A_207] {strides = array<i32>} : memref<256x64xf32, #tpu.memory_space<vmem>>, vector<1x16xf32>,
      %parallel_loop3A_209 = vector.shape_cast %parallel_loop3A_208 : vector<1x16xf32> to vector<16xf32>
      %parallel_loop3A_210 = arith.constant 8.000000e+00 : f32
      %parallel_loop3A_211 = vector.broadcast %parallel_loop3A_210 : f32 to vector<16xf32>
      %parallel_loop3A_212 = arith.mulf %parallel_loop3A_209, %parallel_loop3A_211 : vector<16xf32>
      %parallel_loop3A_213 = arith.index_cast %parallel_loop3A_205 : i32 to index
      %parallel_loop3A_214 = arith.constant 0 : index
      %parallel_loop3A_215 = tpu.vector_load %arg6[%parallel_loop3A_213, %parallel_loop3A_214] {strides = array<i32>} : memref<256x64xf32, #tpu.memory_space<vmem>>, vector<1x16xf32>,
      %parallel_loop3A_216 = vector.shape_cast %parallel_loop3A_215 : vector<1x16xf32> to vector<16xf32>
      %parallel_loop3A_217 = vector.shape_cast %parallel_loop3A_212 : vector<16xf32> to vector<1x16xf32>
      tpu.vector_store %arg6[%parallel_loop3A_213, %parallel_loop3A_214], %parallel_loop3A_217 {strides = array<i32>} : memref<256x64xf32, #tpu.memory_space<vmem>>, vector<1x16xf32>,
      %parallel_loop3A_218 = arith.index_cast %parallel_loop3A_205 : i32 to index
      %parallel_loop3A_219 = arith.constant 16 : index
      %parallel_loop3A_220 = tpu.vector_load %arg6[%parallel_loop3A_218, %parallel_loop3A_219] {strides = array<i32>} : memref<256x64xf32, #tpu.memory_space<vmem>>, vector<1x16xf32>,
      %parallel_loop3A_221 = vector.shape_cast %parallel_loop3A_220 : vector<1x16xf32> to vector<16xf32>
      %parallel_loop3A_222 = arith.constant 8.000000e+00 : f32
      %parallel_loop3A_223 = vector.broadcast %parallel_loop3A_222 : f32 to vector<16xf32>
      %parallel_loop3A_224 = arith.mulf %parallel_loop3A_221, %parallel_loop3A_223 : vector<16xf32>
      %parallel_loop3A_225 = arith.index_cast %parallel_loop3A_205 : i32 to index
      %parallel_loop3A_226 = arith.constant 16 : index
      %parallel_loop3A_227 = tpu.vector_load %arg6[%parallel_loop3A_225, %parallel_loop3A_226] {strides = array<i32>} : memref<256x64xf32, #tpu.memory_space<vmem>>, vector<1x16xf32>,
      %parallel_loop3A_228 = vector.shape_cast %parallel_loop3A_227 : vector<1x16xf32> to vector<16xf32>
      %parallel_loop3A_229 = vector.shape_cast %parallel_loop3A_224 : vector<16xf32> to vector<1x16xf32>
      tpu.vector_store %arg6[%parallel_loop3A_225, %parallel_loop3A_226], %parallel_loop3A_229 {strides = array<i32>} : memref<256x64xf32, #tpu.memory_space<vmem>>, vector<1x16xf32>,
      %parallel_loop3A_230 = arith.index_cast %parallel_loop3A_205 : i32 to index
      %parallel_loop3A_231 = arith.constant 32 : index
      %parallel_loop3A_232 = tpu.vector_load %arg6[%parallel_loop3A_230, %parallel_loop3A_231] {strides = array<i32>} : memref<256x64xf32, #tpu.memory_space<vmem>>, vector<1x16xf32>,
      %parallel_loop3A_233 = vector.shape_cast %parallel_loop3A_232 : vector<1x16xf32> to vector<16xf32>
      %parallel_loop3A_234 = arith.constant 8.000000e+00 : f32
      %parallel_loop3A_235 = vector.broadcast %parallel_loop3A_234 : f32 to vector<16xf32>
      %parallel_loop3A_236 = arith.mulf %parallel_loop3A_233, %parallel_loop3A_235 : vector<16xf32>
      %parallel_loop3A_237 = arith.index_cast %parallel_loop3A_205 : i32 to index
      %parallel_loop3A_238 = arith.constant 32 : index
      %parallel_loop3A_239 = tpu.vector_load %arg6[%parallel_loop3A_237, %parallel_loop3A_238] {strides = array<i32>} : memref<256x64xf32, #tpu.memory_space<vmem>>, vector<1x16xf32>,
      %parallel_loop3A_240 = vector.shape_cast %parallel_loop3A_239 : vector<1x16xf32> to vector<16xf32>
      %parallel_loop3A_241 = vector.shape_cast %parallel_loop3A_236 : vector<16xf32> to vector<1x16xf32>
      tpu.vector_store %arg6[%parallel_loop3A_237, %parallel_loop3A_238], %parallel_loop3A_241 {strides = array<i32>} : memref<256x64xf32, #tpu.memory_space<vmem>>, vector<1x16xf32>,
      %parallel_loop3A_242 = arith.index_cast %parallel_loop3A_205 : i32 to index
      %parallel_loop3A_243 = arith.constant 48 : index
      %parallel_loop3A_244 = tpu.vector_load %arg6[%parallel_loop3A_242, %parallel_loop3A_243] {strides = array<i32>} : memref<256x64xf32, #tpu.memory_space<vmem>>, vector<1x16xf32>,
      %parallel_loop3A_245 = vector.shape_cast %parallel_loop3A_244 : vector<1x16xf32> to vector<16xf32>
      %parallel_loop3A_246 = arith.constant 8.000000e+00 : f32
      %parallel_loop3A_247 = vector.broadcast %parallel_loop3A_246 : f32 to vector<16xf32>
      %parallel_loop3A_248 = arith.mulf %parallel_loop3A_245, %parallel_loop3A_247 : vector<16xf32>
      %parallel_loop3A_249 = arith.index_cast %parallel_loop3A_205 : i32 to index
      %parallel_loop3A_250 = arith.constant 48 : index
      %parallel_loop3A_251 = tpu.vector_load %arg6[%parallel_loop3A_249, %parallel_loop3A_250] {strides = array<i32>} : memref<256x64xf32, #tpu.memory_space<vmem>>, vector<1x16xf32>,
      %parallel_loop3A_252 = vector.shape_cast %parallel_loop3A_251 : vector<1x16xf32> to vector<16xf32>
      %parallel_loop3A_253 = vector.shape_cast %parallel_loop3A_248 : vector<16xf32> to vector<1x16xf32>
      tpu.vector_store %arg6[%parallel_loop3A_249, %parallel_loop3A_250], %parallel_loop3A_253 {strides = array<i32>} : memref<256x64xf32, #tpu.memory_space<vmem>>, vector<1x16xf32>,
    } {sc.loop_unroll_factor = 4 : i64, sc.parallel_access}
    %add3A_122 = arith.constant 24576 : i32
    %add3A_123 = arith.addi %mul3A_2, %add3A_122 : i32
    %dma_start3A_124 = arith.constant 0 : i32
    %dma_start3A_125 = tpu.memref_slice %arg4[%add3A_123, %dma_start3A_124] : memref<819200x64xf32, #tpu.memory_space<hbm>> -> memref<256x64xf32, #tpu.memory_space<hbm>>
    %dma_start3A_126 = arith.constant 0 : i32
    %dma_start3A_127 = tpu.memref_slice %arg4[%add3A_123, %dma_start3A_126] : memref<819200x64xf32, #tpu.memory_space<hbm>> -> memref<256x64xf32, #tpu.memory_space<hbm>>
    tpu.enqueue_dma source(%arg6 : memref<256x64xf32, #tpu.memory_space<vmem>>) target(%dma_start3A_127 : memref<256x64xf32, #tpu.memory_space<hbm>>) target_semaphore(%arg14 : memref<!tpu.dma_semaphore, #tpu.memory_space<semaphore_mem>>)
    %add3A_128 = arith.constant 24320 : i32
    %add3A_129 = arith.addi %mul3A_2, %add3A_128 : i32
    %dma_wait3A_130 = arith.constant 0 : i32
    %dma_wait3A_131 = tpu.memref_slice %arg4[%add3A_129, %dma_wait3A_130] : memref<819200x64xf32, #tpu.memory_space<hbm>> -> memref<256x64xf32, #tpu.memory_space<hbm>>
    %dma_wait3A_132 = arith.constant 0 : i32
    %dma_wait3A_133 = tpu.memref_slice %arg4[%add3A_129, %dma_wait3A_132] : memref<819200x64xf32, #tpu.memory_space<hbm>> -> memref<256x64xf32, #tpu.memory_space<hbm>>
    tpu.wait_dma2 semaphore(%arg17 : memref<!tpu.dma_semaphore, #tpu.memory_space<semaphore_mem>>) src(%arg9 : memref<256x64xf32, #tpu.memory_space<vmem>>) dst(%dma_wait3A_133 : memref<256x64xf32, #tpu.memory_space<hbm>>)
    %dma_start3A_134 = arith.constant 25344 : i32
    %dma_start3A_135 = tpu.memref_slice %arg5[%dma_start3A_134] : memref<25600xi32, #tpu.memory_space<vmem>> -> memref<256xi32, #tpu.memory_space<vmem>>
    %dma_start3A_136 = arith.constant 0 : i32
    %dma_start3A_137 = arith.constant 0 : i32
    %dma_start3A_138 = tpu.memref_slice %arg3[%dma_start3A_136, %dma_start3A_137] : memref<1000000x64xf32, #tpu.memory_space<hbm>> -> memref<1000000x64xf32, #tpu.memory_space<hbm>>
    tpu.enqueue_indirect_dma source(%dma_start3A_138 : memref<1000000x64xf32, #tpu.memory_space<hbm>>) target(%arg9 : memref<256x64xf32, #tpu.memory_space<vmem>>) offsets(%dma_start3A_135 : memref<256xi32, #tpu.memory_space<vmem>>) semaphore(%arg13 : memref<!tpu.dma_semaphore, #tpu.memory_space<semaphore_mem>>)
    %dma_wait3A_139 = arith.constant 24832 : i32
    %dma_wait3A_140 = tpu.memref_slice %arg5[%dma_wait3A_139] : memref<25600xi32, #tpu.memory_space<vmem>> -> memref<256xi32, #tpu.memory_space<vmem>>
    %dma_wait3A_141 = arith.constant 0 : i32
    %dma_wait3A_142 = arith.constant 0 : i32
    %dma_wait3A_143 = tpu.memref_slice %arg3[%dma_wait3A_141, %dma_wait3A_142] : memref<1000000x64xf32, #tpu.memory_space<hbm>> -> memref<1000000x64xf32, #tpu.memory_space<hbm>>
    tpu.wait_indirect_dma semaphore(%arg11 : memref<!tpu.dma_semaphore, #tpu.memory_space<semaphore_mem>>) src(%dma_wait3A_143 : memref<1000000x64xf32, #tpu.memory_space<hbm>>) dst(%arg7 : memref<256x64xf32, #tpu.memory_space<vmem>>)
    %parallel_loop3A_144 = arith.constant 0 : i32
    %parallel_loop3A_145 = arith.constant 256 : i32
    %parallel_loop3A_146 = arith.constant 1 : i32
    scf.for %parallel_loop3A_205 = %parallel_loop3A_144 to %parallel_loop3A_145 step %parallel_loop3A_146  : i32 {
      %parallel_loop3A_206 = arith.index_cast %parallel_loop3A_205 : i32 to index
      %parallel_loop3A_207 = arith.constant 0 : index
      %parallel_loop3A_208 = tpu.vector_load %arg7[%parallel_loop3A_206, %parallel_loop3A_207] {strides = array<i32>} : memref<256x64xf32, #tpu.memory_space<vmem>>, vector<1x16xf32>,
      %parallel_loop3A_209 = vector.shape_cast %parallel_loop3A_208 : vector<1x16xf32> to vector<16xf32>
      %parallel_loop3A_210 = arith.constant 8.000000e+00 : f32
      %parallel_loop3A_211 = vector.broadcast %parallel_loop3A_210 : f32 to vector<16xf32>
      %parallel_loop3A_212 = arith.mulf %parallel_loop3A_209, %parallel_loop3A_211 : vector<16xf32>
      %parallel_loop3A_213 = arith.index_cast %parallel_loop3A_205 : i32 to index
      %parallel_loop3A_214 = arith.constant 0 : index
      %parallel_loop3A_215 = tpu.vector_load %arg7[%parallel_loop3A_213, %parallel_loop3A_214] {strides = array<i32>} : memref<256x64xf32, #tpu.memory_space<vmem>>, vector<1x16xf32>,
      %parallel_loop3A_216 = vector.shape_cast %parallel_loop3A_215 : vector<1x16xf32> to vector<16xf32>
      %parallel_loop3A_217 = vector.shape_cast %parallel_loop3A_212 : vector<16xf32> to vector<1x16xf32>
      tpu.vector_store %arg7[%parallel_loop3A_213, %parallel_loop3A_214], %parallel_loop3A_217 {strides = array<i32>} : memref<256x64xf32, #tpu.memory_space<vmem>>, vector<1x16xf32>,
      %parallel_loop3A_218 = arith.index_cast %parallel_loop3A_205 : i32 to index
      %parallel_loop3A_219 = arith.constant 16 : index
      %parallel_loop3A_220 = tpu.vector_load %arg7[%parallel_loop3A_218, %parallel_loop3A_219] {strides = array<i32>} : memref<256x64xf32, #tpu.memory_space<vmem>>, vector<1x16xf32>,
      %parallel_loop3A_221 = vector.shape_cast %parallel_loop3A_220 : vector<1x16xf32> to vector<16xf32>
      %parallel_loop3A_222 = arith.constant 8.000000e+00 : f32
      %parallel_loop3A_223 = vector.broadcast %parallel_loop3A_222 : f32 to vector<16xf32>
      %parallel_loop3A_224 = arith.mulf %parallel_loop3A_221, %parallel_loop3A_223 : vector<16xf32>
      %parallel_loop3A_225 = arith.index_cast %parallel_loop3A_205 : i32 to index
      %parallel_loop3A_226 = arith.constant 16 : index
      %parallel_loop3A_227 = tpu.vector_load %arg7[%parallel_loop3A_225, %parallel_loop3A_226] {strides = array<i32>} : memref<256x64xf32, #tpu.memory_space<vmem>>, vector<1x16xf32>,
      %parallel_loop3A_228 = vector.shape_cast %parallel_loop3A_227 : vector<1x16xf32> to vector<16xf32>
      %parallel_loop3A_229 = vector.shape_cast %parallel_loop3A_224 : vector<16xf32> to vector<1x16xf32>
      tpu.vector_store %arg7[%parallel_loop3A_225, %parallel_loop3A_226], %parallel_loop3A_229 {strides = array<i32>} : memref<256x64xf32, #tpu.memory_space<vmem>>, vector<1x16xf32>,
      %parallel_loop3A_230 = arith.index_cast %parallel_loop3A_205 : i32 to index
      %parallel_loop3A_231 = arith.constant 32 : index
      %parallel_loop3A_232 = tpu.vector_load %arg7[%parallel_loop3A_230, %parallel_loop3A_231] {strides = array<i32>} : memref<256x64xf32, #tpu.memory_space<vmem>>, vector<1x16xf32>,
      %parallel_loop3A_233 = vector.shape_cast %parallel_loop3A_232 : vector<1x16xf32> to vector<16xf32>
      %parallel_loop3A_234 = arith.constant 8.000000e+00 : f32
      %parallel_loop3A_235 = vector.broadcast %parallel_loop3A_234 : f32 to vector<16xf32>
      %parallel_loop3A_236 = arith.mulf %parallel_loop3A_233, %parallel_loop3A_235 : vector<16xf32>
      %parallel_loop3A_237 = arith.index_cast %parallel_loop3A_205 : i32 to index
      %parallel_loop3A_238 = arith.constant 32 : index
      %parallel_loop3A_239 = tpu.vector_load %arg7[%parallel_loop3A_237, %parallel_loop3A_238] {strides = array<i32>} : memref<256x64xf32, #tpu.memory_space<vmem>>, vector<1x16xf32>,
      %parallel_loop3A_240 = vector.shape_cast %parallel_loop3A_239 : vector<1x16xf32> to vector<16xf32>
      %parallel_loop3A_241 = vector.shape_cast %parallel_loop3A_236 : vector<16xf32> to vector<1x16xf32>
      tpu.vector_store %arg7[%parallel_loop3A_237, %parallel_loop3A_238], %parallel_loop3A_241 {strides = array<i32>} : memref<256x64xf32, #tpu.memory_space<vmem>>, vector<1x16xf32>,
      %parallel_loop3A_242 = arith.index_cast %parallel_loop3A_205 : i32 to index
      %parallel_loop3A_243 = arith.constant 48 : index
      %parallel_loop3A_244 = tpu.vector_load %arg7[%parallel_loop3A_242, %parallel_loop3A_243] {strides = array<i32>} : memref<256x64xf32, #tpu.memory_space<vmem>>, vector<1x16xf32>,
      %parallel_loop3A_245 = vector.shape_cast %parallel_loop3A_244 : vector<1x16xf32> to vector<16xf32>
      %parallel_loop3A_246 = arith.constant 8.000000e+00 : f32
      %parallel_loop3A_247 = vector.broadcast %parallel_loop3A_246 : f32 to vector<16xf32>
      %parallel_loop3A_248 = arith.mulf %parallel_loop3A_245, %parallel_loop3A_247 : vector<16xf32>
      %parallel_loop3A_249 = arith.index_cast %parallel_loop3A_205 : i32 to index
      %parallel_loop3A_250 = arith.constant 48 : index
      %parallel_loop3A_251 = tpu.vector_load %arg7[%parallel_loop3A_249, %parallel_loop3A_250] {strides = array<i32>} : memref<256x64xf32, #tpu.memory_space<vmem>>, vector<1x16xf32>,
      %parallel_loop3A_252 = vector.shape_cast %parallel_loop3A_251 : vector<1x16xf32> to vector<16xf32>
      %parallel_loop3A_253 = vector.shape_cast %parallel_loop3A_248 : vector<16xf32> to vector<1x16xf32>
      tpu.vector_store %arg7[%parallel_loop3A_249, %parallel_loop3A_250], %parallel_loop3A_253 {strides = array<i32>} : memref<256x64xf32, #tpu.memory_space<vmem>>, vector<1x16xf32>,
    } {sc.loop_unroll_factor = 4 : i64, sc.parallel_access}
    %add3A_147 = arith.constant 24832 : i32
    %add3A_148 = arith.addi %mul3A_2, %add3A_147 : i32
    %dma_start3A_149 = arith.constant 0 : i32
    %dma_start3A_150 = tpu.memref_slice %arg4[%add3A_148, %dma_start3A_149] : memref<819200x64xf32, #tpu.memory_space<hbm>> -> memref<256x64xf32, #tpu.memory_space<hbm>>
    %dma_start3A_151 = arith.constant 0 : i32
    %dma_start3A_152 = tpu.memref_slice %arg4[%add3A_148, %dma_start3A_151] : memref<819200x64xf32, #tpu.memory_space<hbm>> -> memref<256x64xf32, #tpu.memory_space<hbm>>
    tpu.enqueue_dma source(%arg7 : memref<256x64xf32, #tpu.memory_space<vmem>>) target(%dma_start3A_152 : memref<256x64xf32, #tpu.memory_space<hbm>>) target_semaphore(%arg15 : memref<!tpu.dma_semaphore, #tpu.memory_space<semaphore_mem>>)
    %dma_wait3A_153 = arith.constant 25088 : i32
    %dma_wait3A_154 = tpu.memref_slice %arg5[%dma_wait3A_153] : memref<25600xi32, #tpu.memory_space<vmem>> -> memref<256xi32, #tpu.memory_space<vmem>>
    %dma_wait3A_155 = arith.constant 0 : i32
    %dma_wait3A_156 = arith.constant 0 : i32
    %dma_wait3A_157 = tpu.memref_slice %arg3[%dma_wait3A_155, %dma_wait3A_156] : memref<1000000x64xf32, #tpu.memory_space<hbm>> -> memref<1000000x64xf32, #tpu.memory_space<hbm>>
    tpu.wait_indirect_dma semaphore(%arg12 : memref<!tpu.dma_semaphore, #tpu.memory_space<semaphore_mem>>) src(%dma_wait3A_157 : memref<1000000x64xf32, #tpu.memory_space<hbm>>) dst(%arg8 : memref<256x64xf32, #tpu.memory_space<vmem>>)
    %parallel_loop3A_158 = arith.constant 0 : i32
    %parallel_loop3A_159 = arith.constant 256 : i32
    %parallel_loop3A_160 = arith.constant 1 : i32
    scf.for %parallel_loop3A_205 = %parallel_loop3A_158 to %parallel_loop3A_159 step %parallel_loop3A_160  : i32 {
      %parallel_loop3A_206 = arith.index_cast %parallel_loop3A_205 : i32 to index
      %parallel_loop3A_207 = arith.constant 0 : index
      %parallel_loop3A_208 = tpu.vector_load %arg8[%parallel_loop3A_206, %parallel_loop3A_207] {strides = array<i32>} : memref<256x64xf32, #tpu.memory_space<vmem>>, vector<1x16xf32>,
      %parallel_loop3A_209 = vector.shape_cast %parallel_loop3A_208 : vector<1x16xf32> to vector<16xf32>
      %parallel_loop3A_210 = arith.constant 8.000000e+00 : f32
      %parallel_loop3A_211 = vector.broadcast %parallel_loop3A_210 : f32 to vector<16xf32>
      %parallel_loop3A_212 = arith.mulf %parallel_loop3A_209, %parallel_loop3A_211 : vector<16xf32>
      %parallel_loop3A_213 = arith.index_cast %parallel_loop3A_205 : i32 to index
      %parallel_loop3A_214 = arith.constant 0 : index
      %parallel_loop3A_215 = tpu.vector_load %arg8[%parallel_loop3A_213, %parallel_loop3A_214] {strides = array<i32>} : memref<256x64xf32, #tpu.memory_space<vmem>>, vector<1x16xf32>,
      %parallel_loop3A_216 = vector.shape_cast %parallel_loop3A_215 : vector<1x16xf32> to vector<16xf32>
      %parallel_loop3A_217 = vector.shape_cast %parallel_loop3A_212 : vector<16xf32> to vector<1x16xf32>
      tpu.vector_store %arg8[%parallel_loop3A_213, %parallel_loop3A_214], %parallel_loop3A_217 {strides = array<i32>} : memref<256x64xf32, #tpu.memory_space<vmem>>, vector<1x16xf32>,
      %parallel_loop3A_218 = arith.index_cast %parallel_loop3A_205 : i32 to index
      %parallel_loop3A_219 = arith.constant 16 : index
      %parallel_loop3A_220 = tpu.vector_load %arg8[%parallel_loop3A_218, %parallel_loop3A_219] {strides = array<i32>} : memref<256x64xf32, #tpu.memory_space<vmem>>, vector<1x16xf32>,
      %parallel_loop3A_221 = vector.shape_cast %parallel_loop3A_220 : vector<1x16xf32> to vector<16xf32>
      %parallel_loop3A_222 = arith.constant 8.000000e+00 : f32
      %parallel_loop3A_223 = vector.broadcast %parallel_loop3A_222 : f32 to vector<16xf32>
      %parallel_loop3A_224 = arith.mulf %parallel_loop3A_221, %parallel_loop3A_223 : vector<16xf32>
      %parallel_loop3A_225 = arith.index_cast %parallel_loop3A_205 : i32 to index
      %parallel_loop3A_226 = arith.constant 16 : index
      %parallel_loop3A_227 = tpu.vector_load %arg8[%parallel_loop3A_225, %parallel_loop3A_226] {strides = array<i32>} : memref<256x64xf32, #tpu.memory_space<vmem>>, vector<1x16xf32>,
      %parallel_loop3A_228 = vector.shape_cast %parallel_loop3A_227 : vector<1x16xf32> to vector<16xf32>
      %parallel_loop3A_229 = vector.shape_cast %parallel_loop3A_224 : vector<16xf32> to vector<1x16xf32>
      tpu.vector_store %arg8[%parallel_loop3A_225, %parallel_loop3A_226], %parallel_loop3A_229 {strides = array<i32>} : memref<256x64xf32, #tpu.memory_space<vmem>>, vector<1x16xf32>,
      %parallel_loop3A_230 = arith.index_cast %parallel_loop3A_205 : i32 to index
      %parallel_loop3A_231 = arith.constant 32 : index
      %parallel_loop3A_232 = tpu.vector_load %arg8[%parallel_loop3A_230, %parallel_loop3A_231] {strides = array<i32>} : memref<256x64xf32, #tpu.memory_space<vmem>>, vector<1x16xf32>,
      %parallel_loop3A_233 = vector.shape_cast %parallel_loop3A_232 : vector<1x16xf32> to vector<16xf32>
      %parallel_loop3A_234 = arith.constant 8.000000e+00 : f32
      %parallel_loop3A_235 = vector.broadcast %parallel_loop3A_234 : f32 to vector<16xf32>
      %parallel_loop3A_236 = arith.mulf %parallel_loop3A_233, %parallel_loop3A_235 : vector<16xf32>
      %parallel_loop3A_237 = arith.index_cast %parallel_loop3A_205 : i32 to index
      %parallel_loop3A_238 = arith.constant 32 : index
      %parallel_loop3A_239 = tpu.vector_load %arg8[%parallel_loop3A_237, %parallel_loop3A_238] {strides = array<i32>} : memref<256x64xf32, #tpu.memory_space<vmem>>, vector<1x16xf32>,
      %parallel_loop3A_240 = vector.shape_cast %parallel_loop3A_239 : vector<1x16xf32> to vector<16xf32>
      %parallel_loop3A_241 = vector.shape_cast %parallel_loop3A_236 : vector<16xf32> to vector<1x16xf32>
      tpu.vector_store %arg8[%parallel_loop3A_237, %parallel_loop3A_238], %parallel_loop3A_241 {strides = array<i32>} : memref<256x64xf32, #tpu.memory_space<vmem>>, vector<1x16xf32>,
      %parallel_loop3A_242 = arith.index_cast %parallel_loop3A_205 : i32 to index
      %parallel_loop3A_243 = arith.constant 48 : index
      %parallel_loop3A_244 = tpu.vector_load %arg8[%parallel_loop3A_242, %parallel_loop3A_243] {strides = array<i32>} : memref<256x64xf32, #tpu.memory_space<vmem>>, vector<1x16xf32>,
      %parallel_loop3A_245 = vector.shape_cast %parallel_loop3A_244 : vector<1x16xf32> to vector<16xf32>
      %parallel_loop3A_246 = arith.constant 8.000000e+00 : f32
      %parallel_loop3A_247 = vector.broadcast %parallel_loop3A_246 : f32 to vector<16xf32>
      %parallel_loop3A_248 = arith.mulf %parallel_loop3A_245, %parallel_loop3A_247 : vector<16xf32>
      %parallel_loop3A_249 = arith.index_cast %parallel_loop3A_205 : i32 to index
      %parallel_loop3A_250 = arith.constant 48 : index
      %parallel_loop3A_251 = tpu.vector_load %arg8[%parallel_loop3A_249, %parallel_loop3A_250] {strides = array<i32>} : memref<256x64xf32, #tpu.memory_space<vmem>>, vector<1x16xf32>,
      %parallel_loop3A_252 = vector.shape_cast %parallel_loop3A_251 : vector<1x16xf32> to vector<16xf32>
      %parallel_loop3A_253 = vector.shape_cast %parallel_loop3A_248 : vector<16xf32> to vector<1x16xf32>
      tpu.vector_store %arg8[%parallel_loop3A_249, %parallel_loop3A_250], %parallel_loop3A_253 {strides = array<i32>} : memref<256x64xf32, #tpu.memory_space<vmem>>, vector<1x16xf32>,
    } {sc.loop_unroll_factor = 4 : i64, sc.parallel_access}
    %add3A_161 = arith.constant 25088 : i32
    %add3A_162 = arith.addi %mul3A_2, %add3A_161 : i32
    %dma_start3A_163 = arith.constant 0 : i32
    %dma_start3A_164 = tpu.memref_slice %arg4[%add3A_162, %dma_start3A_163] : memref<819200x64xf32, #tpu.memory_space<hbm>> -> memref<256x64xf32, #tpu.memory_space<hbm>>
    %dma_start3A_165 = arith.constant 0 : i32
    %dma_start3A_166 = tpu.memref_slice %arg4[%add3A_162, %dma_start3A_165] : memref<819200x64xf32, #tpu.memory_space<hbm>> -> memref<256x64xf32, #tpu.memory_space<hbm>>
    tpu.enqueue_dma source(%arg8 : memref<256x64xf32, #tpu.memory_space<vmem>>) target(%dma_start3A_166 : memref<256x64xf32, #tpu.memory_space<hbm>>) target_semaphore(%arg16 : memref<!tpu.dma_semaphore, #tpu.memory_space<semaphore_mem>>)
    %dma_wait3A_167 = arith.constant 25344 : i32
    %dma_wait3A_168 = tpu.memref_slice %arg5[%dma_wait3A_167] : memref<25600xi32, #tpu.memory_space<vmem>> -> memref<256xi32, #tpu.memory_space<vmem>>
    %dma_wait3A_169 = arith.constant 0 : i32
    %dma_wait3A_170 = arith.constant 0 : i32
    %dma_wait3A_171 = tpu.memref_slice %arg3[%dma_wait3A_169, %dma_wait3A_170] : memref<1000000x64xf32, #tpu.memory_space<hbm>> -> memref<1000000x64xf32, #tpu.memory_space<hbm>>
    tpu.wait_indirect_dma semaphore(%arg13 : memref<!tpu.dma_semaphore, #tpu.memory_space<semaphore_mem>>) src(%dma_wait3A_171 : memref<1000000x64xf32, #tpu.memory_space<hbm>>) dst(%arg9 : memref<256x64xf32, #tpu.memory_space<vmem>>)
    %parallel_loop3A_172 = arith.constant 0 : i32
    %parallel_loop3A_173 = arith.constant 256 : i32
    %parallel_loop3A_174 = arith.constant 1 : i32
    scf.for %parallel_loop3A_205 = %parallel_loop3A_172 to %parallel_loop3A_173 step %parallel_loop3A_174  : i32 {
      %parallel_loop3A_206 = arith.index_cast %parallel_loop3A_205 : i32 to index
      %parallel_loop3A_207 = arith.constant 0 : index
      %parallel_loop3A_208 = tpu.vector_load %arg9[%parallel_loop3A_206, %parallel_loop3A_207] {strides = array<i32>} : memref<256x64xf32, #tpu.memory_space<vmem>>, vector<1x16xf32>,
      %parallel_loop3A_209 = vector.shape_cast %parallel_loop3A_208 : vector<1x16xf32> to vector<16xf32>
      %parallel_loop3A_210 = arith.constant 8.000000e+00 : f32
      %parallel_loop3A_211 = vector.broadcast %parallel_loop3A_210 : f32 to vector<16xf32>
      %parallel_loop3A_212 = arith.mulf %parallel_loop3A_209, %parallel_loop3A_211 : vector<16xf32>
      %parallel_loop3A_213 = arith.index_cast %parallel_loop3A_205 : i32 to index
      %parallel_loop3A_214 = arith.constant 0 : index
      %parallel_loop3A_215 = tpu.vector_load %arg9[%parallel_loop3A_213, %parallel_loop3A_214] {strides = array<i32>} : memref<256x64xf32, #tpu.memory_space<vmem>>, vector<1x16xf32>,
      %parallel_loop3A_216 = vector.shape_cast %parallel_loop3A_215 : vector<1x16xf32> to vector<16xf32>
      %parallel_loop3A_217 = vector.shape_cast %parallel_loop3A_212 : vector<16xf32> to vector<1x16xf32>
      tpu.vector_store %arg9[%parallel_loop3A_213, %parallel_loop3A_214], %parallel_loop3A_217 {strides = array<i32>} : memref<256x64xf32, #tpu.memory_space<vmem>>, vector<1x16xf32>,
      %parallel_loop3A_218 = arith.index_cast %parallel_loop3A_205 : i32 to index
      %parallel_loop3A_219 = arith.constant 16 : index
      %parallel_loop3A_220 = tpu.vector_load %arg9[%parallel_loop3A_218, %parallel_loop3A_219] {strides = array<i32>} : memref<256x64xf32, #tpu.memory_space<vmem>>, vector<1x16xf32>,
      %parallel_loop3A_221 = vector.shape_cast %parallel_loop3A_220 : vector<1x16xf32> to vector<16xf32>
      %parallel_loop3A_222 = arith.constant 8.000000e+00 : f32
      %parallel_loop3A_223 = vector.broadcast %parallel_loop3A_222 : f32 to vector<16xf32>
      %parallel_loop3A_224 = arith.mulf %parallel_loop3A_221, %parallel_loop3A_223 : vector<16xf32>
      %parallel_loop3A_225 = arith.index_cast %parallel_loop3A_205 : i32 to index
      %parallel_loop3A_226 = arith.constant 16 : index
      %parallel_loop3A_227 = tpu.vector_load %arg9[%parallel_loop3A_225, %parallel_loop3A_226] {strides = array<i32>} : memref<256x64xf32, #tpu.memory_space<vmem>>, vector<1x16xf32>,
      %parallel_loop3A_228 = vector.shape_cast %parallel_loop3A_227 : vector<1x16xf32> to vector<16xf32>
      %parallel_loop3A_229 = vector.shape_cast %parallel_loop3A_224 : vector<16xf32> to vector<1x16xf32>
      tpu.vector_store %arg9[%parallel_loop3A_225, %parallel_loop3A_226], %parallel_loop3A_229 {strides = array<i32>} : memref<256x64xf32, #tpu.memory_space<vmem>>, vector<1x16xf32>,
      %parallel_loop3A_230 = arith.index_cast %parallel_loop3A_205 : i32 to index
      %parallel_loop3A_231 = arith.constant 32 : index
      %parallel_loop3A_232 = tpu.vector_load %arg9[%parallel_loop3A_230, %parallel_loop3A_231] {strides = array<i32>} : memref<256x64xf32, #tpu.memory_space<vmem>>, vector<1x16xf32>,
      %parallel_loop3A_233 = vector.shape_cast %parallel_loop3A_232 : vector<1x16xf32> to vector<16xf32>
      %parallel_loop3A_234 = arith.constant 8.000000e+00 : f32
      %parallel_loop3A_235 = vector.broadcast %parallel_loop3A_234 : f32 to vector<16xf32>
      %parallel_loop3A_236 = arith.mulf %parallel_loop3A_233, %parallel_loop3A_235 : vector<16xf32>
      %parallel_loop3A_237 = arith.index_cast %parallel_loop3A_205 : i32 to index
      %parallel_loop3A_238 = arith.constant 32 : index
      %parallel_loop3A_239 = tpu.vector_load %arg9[%parallel_loop3A_237, %parallel_loop3A_238] {strides = array<i32>} : memref<256x64xf32, #tpu.memory_space<vmem>>, vector<1x16xf32>,
      %parallel_loop3A_240 = vector.shape_cast %parallel_loop3A_239 : vector<1x16xf32> to vector<16xf32>
      %parallel_loop3A_241 = vector.shape_cast %parallel_loop3A_236 : vector<16xf32> to vector<1x16xf32>
      tpu.vector_store %arg9[%parallel_loop3A_237, %parallel_loop3A_238], %parallel_loop3A_241 {strides = array<i32>} : memref<256x64xf32, #tpu.memory_space<vmem>>, vector<1x16xf32>,
      %parallel_loop3A_242 = arith.index_cast %parallel_loop3A_205 : i32 to index
      %parallel_loop3A_243 = arith.constant 48 : index
      %parallel_loop3A_244 = tpu.vector_load %arg9[%parallel_loop3A_242, %parallel_loop3A_243] {strides = array<i32>} : memref<256x64xf32, #tpu.memory_space<vmem>>, vector<1x16xf32>,
      %parallel_loop3A_245 = vector.shape_cast %parallel_loop3A_244 : vector<1x16xf32> to vector<16xf32>
      %parallel_loop3A_246 = arith.constant 8.000000e+00 : f32
      %parallel_loop3A_247 = vector.broadcast %parallel_loop3A_246 : f32 to vector<16xf32>
      %parallel_loop3A_248 = arith.mulf %parallel_loop3A_245, %parallel_loop3A_247 : vector<16xf32>
      %parallel_loop3A_249 = arith.index_cast %parallel_loop3A_205 : i32 to index
      %parallel_loop3A_250 = arith.constant 48 : index
      %parallel_loop3A_251 = tpu.vector_load %arg9[%parallel_loop3A_249, %parallel_loop3A_250] {strides = array<i32>} : memref<256x64xf32, #tpu.memory_space<vmem>>, vector<1x16xf32>,
      %parallel_loop3A_252 = vector.shape_cast %parallel_loop3A_251 : vector<1x16xf32> to vector<16xf32>
      %parallel_loop3A_253 = vector.shape_cast %parallel_loop3A_248 : vector<16xf32> to vector<1x16xf32>
      tpu.vector_store %arg9[%parallel_loop3A_249, %parallel_loop3A_250], %parallel_loop3A_253 {strides = array<i32>} : memref<256x64xf32, #tpu.memory_space<vmem>>, vector<1x16xf32>,
    } {sc.loop_unroll_factor = 4 : i64, sc.parallel_access}
    %add3A_175 = arith.constant 25344 : i32
    %add3A_176 = arith.addi %mul3A_2, %add3A_175 : i32
    %dma_start3A_177 = arith.constant 0 : i32
    %dma_start3A_178 = tpu.memref_slice %arg4[%add3A_176, %dma_start3A_177] : memref<819200x64xf32, #tpu.memory_space<hbm>> -> memref<256x64xf32, #tpu.memory_space<hbm>>
    %dma_start3A_179 = arith.constant 0 : i32
    %dma_start3A_180 = tpu.memref_slice %arg4[%add3A_176, %dma_start3A_179] : memref<819200x64xf32, #tpu.memory_space<hbm>> -> memref<256x64xf32, #tpu.memory_space<hbm>>
    tpu.enqueue_dma source(%arg9 : memref<256x64xf32, #tpu.memory_space<vmem>>) target(%dma_start3A_180 : memref<256x64xf32, #tpu.memory_space<hbm>>) target_semaphore(%arg17 : memref<!tpu.dma_semaphore, #tpu.memory_space<semaphore_mem>>)
    %add3A_181 = arith.constant 24576 : i32
    %add3A_182 = arith.addi %mul3A_2, %add3A_181 : i32
    %dma_wait3A_183 = arith.constant 0 : i32
    %dma_wait3A_184 = tpu.memref_slice %arg4[%add3A_182, %dma_wait3A_183] : memref<819200x64xf32, #tpu.memory_space<hbm>> -> memref<256x64xf32, #tpu.memory_space<hbm>>
    %dma_wait3A_185 = arith.constant 0 : i32
    %dma_wait3A_186 = tpu.memref_slice %arg4[%add3A_182, %dma_wait3A_185] : memref<819200x64xf32, #tpu.memory_space<hbm>> -> memref<256x64xf32, #tpu.memory_space<hbm>>
    tpu.wait_dma2 semaphore(%arg14 : memref<!tpu.dma_semaphore, #tpu.memory_space<semaphore_mem>>) src(%arg6 : memref<256x64xf32, #tpu.memory_space<vmem>>) dst(%dma_wait3A_186 : memref<256x64xf32, #tpu.memory_space<hbm>>)
    %add3A_187 = arith.constant 24832 : i32
    %add3A_188 = arith.addi %mul3A_2, %add3A_187 : i32
    %dma_wait3A_189 = arith.constant 0 : i32
    %dma_wait3A_190 = tpu.memref_slice %arg4[%add3A_188, %dma_wait3A_189] : memref<819200x64xf32, #tpu.memory_space<hbm>> -> memref<256x64xf32, #tpu.memory_space<hbm>>
    %dma_wait3A_191 = arith.constant 0 : i32
    %dma_wait3A_192 = tpu.memref_slice %arg4[%add3A_188, %dma_wait3A_191] : memref<819200x64xf32, #tpu.memory_space<hbm>> -> memref<256x64xf32, #tpu.memory_space<hbm>>
    tpu.wait_dma2 semaphore(%arg15 : memref<!tpu.dma_semaphore, #tpu.memory_space<semaphore_mem>>) src(%arg7 : memref<256x64xf32, #tpu.memory_space<vmem>>) dst(%dma_wait3A_192 : memref<256x64xf32, #tpu.memory_space<hbm>>)
    %add3A_193 = arith.constant 25088 : i32
    %add3A_194 = arith.addi %mul3A_2, %add3A_193 : i32
    %dma_wait3A_195 = arith.constant 0 : i32
    %dma_wait3A_196 = tpu.memref_slice %arg4[%add3A_194, %dma_wait3A_195] : memref<819200x64xf32, #tpu.memory_space<hbm>> -> memref<256x64xf32, #tpu.memory_space<hbm>>
    %dma_wait3A_197 = arith.constant 0 : i32
    %dma_wait3A_198 = tpu.memref_slice %arg4[%add3A_194, %dma_wait3A_197] : memref<819200x64xf32, #tpu.memory_space<hbm>> -> memref<256x64xf32, #tpu.memory_space<hbm>>
    tpu.wait_dma2 semaphore(%arg16 : memref<!tpu.dma_semaphore, #tpu.memory_space<semaphore_mem>>) src(%arg8 : memref<256x64xf32, #tpu.memory_space<vmem>>) dst(%dma_wait3A_198 : memref<256x64xf32, #tpu.memory_space<hbm>>)
    %add3A_199 = arith.constant 25344 : i32
    %add3A_200 = arith.addi %mul3A_2, %add3A_199 : i32
    %dma_wait3A_201 = arith.constant 0 : i32
    %dma_wait3A_202 = tpu.memref_slice %arg4[%add3A_200, %dma_wait3A_201] : memref<819200x64xf32, #tpu.memory_space<hbm>> -> memref<256x64xf32, #tpu.memory_space<hbm>>
    %dma_wait3A_203 = arith.constant 0 : i32
    %dma_wait3A_204 = tpu.memref_slice %arg4[%add3A_200, %dma_wait3A_203] : memref<819200x64xf32, #tpu.memory_space<hbm>> -> memref<256x64xf32, #tpu.memory_space<hbm>>
    tpu.wait_dma2 semaphore(%arg17 : memref<!tpu.dma_semaphore, #tpu.memory_space<semaphore_mem>>) src(%arg9 : memref<256x64xf32, #tpu.memory_space<vmem>>) dst(%dma_wait3A_204 : memref<256x64xf32, #tpu.memory_space<hbm>>)
    return
  }
}

</mosaic_0001>

<sc_bundles>
// kernel: _sc_lookup.3.cloned.1.call-start
scs
__scs_entry_jumppad:
0x0: {  	(pc) =	sbr.rel $0x88, $3  }
0x1: {  	(tag) =	ssettag $0x0;
	lr =	simm.s32 $0x1  }
0x2: {  	[smem:$0x3F9F] =	sst lr;
	_ =	strace $0xD0000000  }
0x3: {  	_ = 	snop  }
0x4: {  	_ = 	snop  }
0x5: {  	_ = 	snop  }
0x6: {  	_ = 	snop  }
0x7: {  	_ = 	snop  }
__scs_overlays_trampoline_lowered:
0x8: {  	[smem:$0x3FAE] =	sst s0  }
0x9: {  	[smem:$0x3FAF] =	sst s1  }
0xa: {  	[smem:$0x3FB0] =	sst s2  }
0xb: {  	[smem:$0x3FB1] =	sst s3  }
0xc: {  	[smem:$0x3FB2] =	sst s4  }
0xd: {  	[smem:$0x3FB3] =	sst s5  }
0xe: {  	[smem:$0x3FB4] =	sst s6  }
0xf: {  	[smem:$0x3FB5] =	sst s7  }
0x10: {  	[smem:$0x3FB6] =	sst s8  }
0x11: {  	[smem:$0x3FB7] =	sst s9;
	s0 =	simm.s32 @!p0 $0x0  }
0x12: {  	s1 =	sld [smem:$0x3F9D];
	s0 =	simm.s32 @p0 $0x1  }
0x13: {  	[smem:$0x3FB8] =	sst s0;
	s0 =	simm.s32 @!p1 $0x0  }
0x14: {  	s2 =	sld [smem:$0x3F9C];
	s0 =	simm.s32 @p1 $0x1  }
0x15: {  	[smem:$0x3FB9] =	sst s0;
	s0 =	simm.s32 @!p2 $0x0  }
0x16: {  	s3 =	sld [smem:$0x3FDB];
	s0 =	simm.s32 @p2 $0x1  }
0x17: {  	s4 =	simm.s32 $0x1BF5;
	[smem:$0x3FBB] =	sst s0  }
0x18: {  	s0 =	sld [smem:$0x3F9E];
	_ =	swait.ge [sflag:s4], $0x0  }
0x19: {  	s7 =	sld [smem:$0x3F9F]  }
0x1a: {  	s8 =	sadd.s32 $0xFFFFE003, lr  }
0x1b: {  	s9 =	sadd.s32 $0xFFFFFEF7, lr;
	s5 =	simm.s32 $0xFFFFFFFF;
	p2 =	slt.u32 s8, $0xFFFFF086  }
0x1c: {  	p1 =	slt.u32 s9, $0xF7A;
	s5 =	simm.s32 @!p2 $0x0  }
0x1d: {  	s5 =	simm.s32 @p1 $0x1;
	p0 =	seq.s32 s7, s2  }
0x1e: {  	s7 =	smul.u32 @!p0 $0xF7A, s2;
	p2 =	seq.s32 @!p0 s5, $0x0  }
0x1f: {  	s9 =	smul.u32 $0xF7A, s1;
	s8 =	simm.s32 @!p0 $0x1BF5;
	p2 =	por !p2, p0  }
0x20: {  	[sflag:s8] =	ssyncset.s32 @!p0 $0xFFFFF086;
	s6 =	sadd.s32 @!p0 s3, s7;
	s7 =	simm.s32 @!p0 $0x108  }
0x21: {  	s3 =	sadd.s32 s3, s9;
	s6 =	sadd.s32 @!p0 $0x88, s6;
	s7 =	simm.s32 @p2 $0x1082  }
0x22: {  	[simem:s7], [sflag:s8] =	dma.local @!p0 [hbm:s6], $0xF7A  }
0x23: {  	s9 =	sor.u32 $0xD0000000, s2;
	s6 =	simm.s32 $0x108;
	_ =	swait.ge @!p0 [sflag:s8], $0x0  }
0x24: {  	s3 =	sadd.s32 $0x88, s3;
	s6 =	simm.s32 @!p1 $0x1082;
	[sflag:s4] =	ssyncset.s32 $0xFFFFF086  }
0x25: {  	[simem:s6], [sflag:s4] =	dma.local [hbm:s3], $0xF7A  }
0x26: {  	[smem:$0x3F9F] =	sst s1;
	(tag) =	ssettag s2;
	_ =	strace s9  }
0x27: {  	s1 =	sld [smem:$0x3FAF]  }
0x28: {  	s2 =	sld [smem:$0x3FB0]  }
0x29: {  	s4 =	sld [smem:$0x3FB2]  }
0x2a: {  	p0 =	seq.s32 s5, $0x0;
	s5 =	sld [smem:$0x3FB3]  }
0x2b: {  	s6 =	sld [smem:$0x3FB4]  }
0x2c: {  	s7 =	sld [smem:$0x3FB5]  }
0x2d: {  	s3 =	simm.s32 $0x108;
	s8 =	sld [smem:$0x3FB6]  }
0x2e: {  	s3 =	simm.s32 @!p0 $0x1082;
	s9 =	sld [smem:$0x3FB7]  }
0x2f: {  	lr =	sadd.s32 s0, s3;
	s0 =	sld [smem:$0x3FAE]  }
0x30: {  	s3 =	sld [smem:$0x3FB1]  }
0x31: {  	[smem:$0x3FBA] =	sst s10  }
0x32: {  	s10 =	sld [smem:$0x3FB8];
	_ =	sdelay $0x3  }
0x33: {  	p0 =	seq.s32 s10, $0x1;
	s10 =	sld [smem:$0x3FBA];
	_ =	sdelay $0x3  }
0x34: {  	[smem:$0x3FBA] =	sst s10  }
0x35: {  	s10 =	sld [smem:$0x3FB9];
	_ =	sdelay $0x3  }
0x36: {  	p1 =	seq.s32 s10, $0x1;
	s10 =	sld [smem:$0x3FBA];
	_ =	sdelay $0x3  }
0x37: {  	[smem:$0x3FBA] =	sst s10  }
0x38: {  	s10 =	sld [smem:$0x3FBB]  }
0x39: {  	_ = 	snop;
	(pc) =	sbr.ind lr, $3  }
0x3a: {  	_ = 	snop  }
0x3b: {  	_ = 	snop  }
0x3c: {  	p2 =	seq.s32 s10, $0x1;
	s10 =	sld [smem:$0x3FBA]  }
0x3d: {  	_ =	shalt  }
0x3e: {  	_ =	shalt  }
0x3f: {  	_ =	shalt  }
0x40: {  	_ =	shalt  }
0x41: {  	_ =	shalt  }
0x42: {  	_ =	shalt  }
0x43: {  	_ =	shalt  }
0x44: {  	_ =	shalt  }
0x45: {  	_ =	shalt  }
0x46: {  	_ =	shalt  }
0x47: {  	_ =	shalt  }
0x48: {  	_ =	shalt  }
0x49: {  	_ =	shalt  }
0x4a: {  	_ =	shalt  }
0x4b: {  	_ =	shalt  }
0x4c: {  	_ =	shalt  }
0x4d: {  	_ =	shalt  }
0x4e: {  	_ =	shalt  }
0x4f: {  	_ =	shalt  }
0x50: {  	_ =	shalt  }
0x51: {  	_ =	shalt  }
0x52: {  	_ =	shalt  }
0x53: {  	_ =	shalt  }
0x54: {  	_ =	shalt  }
0x55: {  	_ =	shalt  }
0x56: {  	_ =	shalt  }
0x57: {  	_ =	shalt  }
0x58: {  	_ =	shalt  }
0x59: {  	_ =	shalt  }
0x5a: {  	_ =	shalt  }
0x5b: {  	_ =	shalt  }
0x5c: {  	_ =	shalt  }
0x5d: {  	_ =	shalt  }
0x5e: {  	_ =	shalt  }
0x5f: {  	_ =	shalt  }
0x60: {  	_ =	shalt  }
0x61: {  	_ =	shalt  }
0x62: {  	_ =	shalt  }
0x63: {  	_ =	shalt  }
0x64: {  	_ =	shalt  }
0x65: {  	_ =	shalt  }
0x66: {  	_ =	shalt  }
0x67: {  	_ =	shalt  }
0x68: {  	_ =	shalt  }
0x69: {  	_ =	shalt  }
0x6a: {  	_ =	shalt  }
0x6b: {  	_ =	shalt  }
0x6c: {  	_ =	shalt  }
0x6d: {  	_ =	shalt  }
0x6e: {  	_ =	shalt  }
0x6f: {  	_ =	shalt  }
0x70: {  	_ =	shalt  }
0x71: {  	_ =	shalt  }
0x72: {  	_ =	shalt  }
0x73: {  	_ =	shalt  }
0x74: {  	_ =	shalt  }
0x75: {  	_ =	shalt  }
0x76: {  	_ =	shalt  }
0x77: {  	_ =	shalt  }
0x78: {  	_ =	shalt  }
0x79: {  	_ =	shalt  }
0x7a: {  	_ =	shalt  }
0x7b: {  	_ =	shalt  }
0x7c: {  	_ =	shalt  }
0x7d: {  	_ =	shalt  }
0x7e: {  	_ =	shalt  }
0x7f: {  	_ =	shalt  }
0x80: {  	_ =	shalt  }
0x81: {  	_ =	shalt  }
0x82: {  	_ =	shalt  }
0x83: {  	_ =	shalt  }
0x84: {  	_ =	shalt  }
0x85: {  	_ =	shalt  }
0x86: {  	_ =	shalt  }
0x87: {  	_ =	shalt  }
.Lfunc_end0:
.L_simem_size_0:
called_computation.1_lowered:
.L_overlay_start_0:
0x88: {  	s2 =	sld [smem:$0x3FD9]  }
0x89: {  	s3 =	sld [smem:$0x3FFE];
	_ =	sdelay $0x1  }
0x8a: {  	s1 =	srdreg.scid  }
0x8b: {  	s0 =	sand.u32 $0x1, s1  }
0x8c: {  	s17 =	sshll.u32 s0, $0xA;
	s2 =	sadd.s32 s3, s2  }
0x8d: {  	s2 =	sadd.s32 s2, s17  }
0x8e: {  	[smem:$0x3FC6] =	sst s2  }
0x8f: {  	_ = 	snop  }
0x90: {  	s2 =	sld [smem:$0x3FC9]  }
0x91: {  	s18 =	sld [smem:$0x3FD0];
	(tm) =	ssettm $0x1  }
0x92: {  	s4 =	sld [smem:$0x3FFB];
	_ =	sdelay $0x3  }
0x93: {  	_ =	strace s4  }
0x94: {  	s4 =	sld [smem:$0x3FFC];
	_ =	sdelay $0x3  }
0x95: {  	_ =	strace s4  }
0x96: {  	s4 =	sld [smem:$0x3FFD];
	_ =	sdelay $0x3  }
0x97: {  	_ =	strace s4  }
0x98: {  	_ =	strace $0x8FFFFFFF  }
0x99: {  	s19 =	sld [smem:$0x3FDB];
	_ =	sdelay $0x1  }
0x9a: {  	s5 =	simm.s32 $_scs_section_size  }
0x9b: {  	s6 =	simm.s32 $_size__tile_overlayer_lowered;
	s7 =	simm.s32 $_tile_overlayer_lowered  }
0x9c: {  	s22 =	simm.s32 $0x1BFF;
	s21 =	sshll.u32 s7, $0x1;
	s4 =	sadd.s32 s5, s19  }
0x9d: {  	s8 =	simm.s32 $0x0;
	s20 =	sshll.u32 s6, $0x1;
	s6 =	sadd.s32 s21, s4  }
0x9e: {  	[timem:s8], [sflag:s22] =	dma.local [hbm:s6], s20  }
0x9f: {  	_ =	swait.ge [sflag:s22], s20  }
0xa0: {  	s5 =	ssub.s32 $0x0, s20;
	[sflag:s22] =	ssyncset.done $0x0  }
0xa1: {  	[sflag:s22] =	ssyncadd.s32 s5;
	_ =	sdelay $0x1  }
0xa2: {  	s23 =	simm.s32 $0x1B8B  }
0xa3: {  	_ =	swait.ge [sflag:s23], $0x1  }
0xa4: {  	[sflag:s23] =	ssyncset.done $0x0  }
0xa5: {  	s25 =	simm.s32 $0x1B8E;
	s24 =	sld [smem:$0x3FFE];
	[sflag:s23] =	ssyncadd.s32 $0xFFFFFFFF  }
0xa6: {  	s26 =	simm.s32 $execute0_lowered;
	[smem:$0x3FD2] =	sst s25  }
0xa7: {  	s6 =	sshll.u32 s26, $0x1;
	_ =	strace $0x80000046;
	[dreg:$0x1] =	wrdreg $0xFFFFFFFF  }
0xa8: {  	s28 =	simm.s32 $_size_execute0_lowered;
	s4 =	sadd.s32 s4, s6;
	[dreg:$0x0] =	wrdreg $0x0  }
0xa9: {  	s6 =	sshll.u32 s28, $0x1;
	[dreg:$0x2] =	wrdreg s4  }
0xaa: {  	[dreg:$0x3] =	wrdreg s6  }
0xab: {  	[dreg:$0x4] =	wrdreg $0xC0  }
0xac: {  	_ =	task [dreg:s8], $0x5FFFF  }
0xad: {  	[dreg:$0x1] =	wrdreg $0xFFFFFFFF  }
0xae: {  	[dreg:$0x0] =	wrdreg $0x60  }
0xaf: {  	[dreg:$0x2] =	wrdreg s2  }
0xb0: {  	[dreg:$0x3] =	wrdreg s24  }
0xb1: {  	[dreg:$0x4] =	wrdreg s18  }
0xb2: {  	[dreg:$0x5] =	wrdreg $0x9  }
0xb3: {  	_ =	task.clear_ibuf [dreg:s8], $0x6FFFF;
	_ =	strace $0x90000046  }
0xb4: {  	s29 =	simm.s32 $0x9;
	_ =	strace $0x80000048  }
0xb5: {  	_ =	swait.ge [sflag:s29], $0x1  }
0xb6: {  	[sflag:s29] =	ssyncadd.s32 $0xFFFFFFFF  }
0xb7: {  	_ =	strace $0x90000048  }
0xb8: {  	_ =	sfence  }
0xb9: {  	s30 =	sld [smem:$0x0];
	_ =	sdelay $0x2  }
0xba: {  	s31 =	sshll.u32 s1, $0xD;
	s1 =	sshrl.u32 s1, $0x2  }
0xbb: {  	s3 =	sand.u32 $0x4000, s31;
	s1 =	sadd.s32 s1, s30  }
0xbc: {  	s0 =	sor.u32 s3, s0;
	s1 =	sshll.u32 s1, $0x11  }
0xbd: {  	s0 =	sor.u32 s1, s0  }
0xbe: {  	s0 =	sadd.s32 $0x8F2B, s0  }
0xbf: {  	[sflag:s0] =	ssyncadd.remote.s32 $0x1  }
0xc0: {  	_ =	sfence.sel $0xFFFF  }
0xc1: {  	[dreg:$0x0] =	wrdreg $0xFFFFFFFF;
	(pc) =	sbr.abs _section_cstart, $3  }
0xc2: {  	[dreg:$0x1] =	wrdreg $0xFFFFFFFF  }
0xc3: {  	_ =	task.clear_ibuf [dreg:s8], $0x2FFFF;
	_ =	strace $0x9FFFFFFF  }
0xc4: {  	(tm) =	ssettm $0x7FFFFFFF  }
0xc5: {  	_ =	shalt  }
tec
execute0_lowered:
.L_overlay_start_1:
0x0: {  	(tag) =	ssettag $0x1  }
0x1: {  	s0 =	rddreg [dreg:$0x0]  }
0x2: {  	s1 =	rddreg [dreg:$0x1]  }
0x3: {  	s2 =	rddreg [dreg:$0x2]  }
0x4: {  	s4 =	srdreg.scid;
	s5 =	stileid.u32  }
0x5: {  	s3 =	simm.s32 $0x0;
	s28 =	simm.s32 $0x1;
	s29 =	simm.s32 $0x2  }
0x6: {  	s30 =	simm.s32 $0x5;
	s6 =	sand.u32 $0x1, s4;
	s18 =	sshll.u32 s5, $0x1  }
0x7: {  	s31 =	simm.s32 $0x7;
	[smem:$0x7FF] =	sst s3;
	s7 =	sor.u32 s6, s18  }
0x8: {  	s5 =	sadd.s32 $0xF42C00, s1;
	s19 =	ssub.s32 $0x2, s6;
	s4 =	smul.u32 $0x6400, s7  }
0x9: {  	_ =	strace $0x80000047;
	s8 =	smul.u32 $0x32000, s7;
	s9 =	sshrl.u32 s19, $0x1  }
0xa: {  	s6 =	smul.u32 $0x190000, s7;
	s7 =	simm.s32 $0x0;
	s1 =	ssub.s32 s19, s9  }
0xb: {  	s19 =	simm.s32 $0x9;
	s10 =	sshrl.u32 s4, $0x3;
	s8 =	sadd.s32 s2, s8  }
0xc: {  	s22 =	sshrl.u32 s6, $0x3;
	s12 =	sor.u32 $0x100, s4;
	s0 =	sadd.s32 s0, s10  }
0xd: {  	s13 =	sor.u32 $0x200, s4;
	s20 =	sadd.s32 $0x800, s8;
	[dreg:$0x4] =	wrdreg s0  }
0xe: {  	s18 =	smax.u32 s1, $0x1;
	s21 =	sadd.s32 $0x1000, s8;
	[dreg:$0x5] =	wrdreg s20  }
0xf: {  	s23 =	sadd.s32 $0x1800, s8;
	[dreg:$0x6] =	wrdreg s21;
	s0 =	sadd.s32 s2, s22  }
0x10: {  	s1 =	simm.s32 $0x6;
	[dreg:$0x7] =	wrdreg s23;
	s24 =	sadd.s32 $0x30000, s0  }
0x11: {  	s20 =	simm.s32 $0x100;
	s25 =	sadd.s32 $0x30800, s0;
	[dreg:$0x8] =	wrdreg s24  }
0x12: {  	s21 =	simm.s32 $0x6400;
	s26 =	sadd.s32 $0x31000, s0;
	[dreg:$0x9] =	wrdreg s25  }
0x13: {  	s22 =	simm.s32 $0xA400;
	s0 =	sadd.s32 $0x31800, s0;
	[dreg:$0xa] =	wrdreg s26  }
0x14: {  	s23 =	simm.s32 $0x8;
	[dreg:$0xb] =	wrdreg s0;
	s24 =	simm.s32 $0xE400  }
0x15: {  	s26 =	simm.s32 $0x12400;
	s0 =	simm.s32 $0x3;
	s25 =	simm.s32 $0x4  }
.LBB2_1:
0x16: {  	s9 =	rddreg [dreg:$0x4]  }
0x17: {  	[tilespmem:s3], [sflag:$0x9] =	stream.linear.gather [hbm4b:s9+s3], $0x6400, $0x38;
	[tilespmem:$0x16400] =	vst v63  }
0x18: {  	_ =	swait.ge [sflag:s19], $0x6400  }
0x19: {  	[sflag:s19] =	ssyncset.done $0x0  }
0x1a: {  	[sflag:s19] =	ssyncadd.s32 $0xFFFF9C00  }
0x1b: {  	[tilespmem:s21], [sflag:$0x1] =	stream.indirect.gather [hbm4b:s5+s20], $0x40, s3, s20, $0xb8;
	[tilespmem:$0x16400] =	vst v63  }
0x1c: {  	_ = 	snop  }
0x1d: {  	[tilespmem:s22], [sflag:$0x2] =	stream.indirect.gather [hbm4b:s5+s20], $0x40, s20, s20, $0xb8;
	[tilespmem:$0x16400] =	vst v63  }
0x1e: {  	s16 =	simm.s32 $0x200  }
0x1f: {  	[tilespmem:s24], [sflag:$0x3] =	stream.indirect.gather [hbm4b:s5+s20], $0x40, s16, s20, $0xb8;
	[tilespmem:$0x16400] =	vst v63  }
0x20: {  	s17 =	simm.s32 $0x300  }
0x21: {  	[tilespmem:s26], [sflag:$0x4] =	stream.indirect.gather [hbm4b:s5+s20], $0x40, s17, s20, $0xb8;
	[tilespmem:$0x16400] =	vst v63  }
0x22: {  	_ =	swait.ge [sflag:s28], $0x4000  }
0x23: {  	[sflag:s28] =	ssyncset.done $0x0  }
0x24: {  	s9 =	simm.s32 $0x6480;
	[sflag:s28] =	ssyncadd.s32 $0xFFFFC000  }
0x25: {  	v0 =	vld [tilespmem:s9+$0x70]  }
0x26: {  	v1 =	vld [tilespmem:s9+$0xFFFFFF90]  }
0x27: {  	v2 =	vld [tilespmem:s9+$0xFFFFFFA0]  }
0x28: {  	v3 =	vld [tilespmem:s9+$0xFFFFFFB0]  }
0x29: {  	v4 =	vld [tilespmem:s9+$0xFFFFFFC0]  }
0x2a: {  	v5 =	vld [tilespmem:s9+$0xFFFFFFD0];
	v0 =	vmul.f32 $8.000000000e+00, v0  }
0x2b: {  	v6 =	vld [tilespmem:s9+$0xFFFFFFE0];
	v1 =	vmul.f32 $8.000000000e+00, v1  }
0x2c: {  	v7 =	vld [tilespmem:s9+$0xFFFFFFF0];
	v2 =	vmul.f32 $8.000000000e+00, v2;
	[tilespmem:s9+$0x70] =	vst v0  }
0x2d: {  	[tilespmem:s9+$0xFFFFFF90] =	vst v1;
	v0 =	vmul.f32 $8.000000000e+00, v3;
	v3 =	vld [tilespmem:s9+$0x0]  }
0x2e: {  	[tilespmem:s9+$0xFFFFFFA0] =	vst v2;
	v1 =	vmul.f32 $8.000000000e+00, v4;
	v4 =	vld [tilespmem:s9+$0x10]  }
0x2f: {  	v8 =	vld [tilespmem:s9+$0x20];
	v2 =	vmul.f32 $8.000000000e+00, v5;
	[tilespmem:s9+$0xFFFFFFB0] =	vst v0  }
0x30: {  	v5 =	vmul.f32 $8.000000000e+00, v6;
	[tilespmem:s9+$0xFFFFFFC0] =	vst v1;
	v0 =	vld [tilespmem:s9+$0x30]  }
0x31: {  	v6 =	vmul.f32 $8.000000000e+00, v7;
	[tilespmem:s9+$0xFFFFFFD0] =	vst v2;
	v1 =	vld [tilespmem:s9+$0x40]  }
0x32: {  	[tilespmem:s9+$0xFFFFFFE0] =	vst v5;
	v2 =	vld [tilespmem:s9+$0x50];
	v7 =	vmul.f32 $8.000000000e+00, v3  }
0x33: {  	[tilespmem:s9+$0xFFFFFFF0] =	vst v6;
	v3 =	vld [tilespmem:s9+$0x60];
	v5 =	vmul.f32 $8.000000000e+00, v4  }
0x34: {  	s10 =	simm.s32 $0x0;
	s11 =	simm.s32 $0x6580;
	v6 =	vmul.f32 $8.000000000e+00, v8;
	v4 =	vld [tilespmem:s9+$0xFFFFFF80];
	[tilespmem:s9+$0x0] =	vst v7  }
.LBB2_2:
0x35: {  	v7 =	vld [tilespmem:s11+$0x70];
	s10 =	sadd.s32 $0x4, s10;
	[tilespmem:s9+$0x10] =	vst v5;
	v0 =	vmul.f32 $8.000000000e+00, v0  }
0x36: {  	v5 =	vld [tilespmem:s11+$0xFFFFFF90];
	p0 =	slt.u32 s10, $0xFC;
	[tilespmem:s9+$0x20] =	vst v6;
	v1 =	vmul.f32 $8.000000000e+00, v1  }
0x37: {  	v6 =	vld [tilespmem:s11+$0xFFFFFFA0];
	[tilespmem:s9+$0x30] =	vst v0;
	v0 =	vmul.f32 $8.000000000e+00, v2  }
0x38: {  	v2 =	vld [tilespmem:s11+$0xFFFFFFB0];
	[tilespmem:s9+$0x40] =	vst v1;
	v1 =	vmul.f32 $8.000000000e+00, v3  }
0x39: {  	v3 =	vld [tilespmem:s11+$0xFFFFFFC0];
	v4 =	vmul.f32 $8.000000000e+00, v4;
	[tilespmem:s9+$0x50] =	vst v0  }
0x3a: {  	v0 =	vld [tilespmem:s11+$0xFFFFFFD0];
	v7 =	vmul.f32 $8.000000000e+00, v7;
	[tilespmem:s9+$0x60] =	vst v1  }
0x3b: {  	v1 =	vmul.f32 $8.000000000e+00, v5;
	v5 =	vld [tilespmem:s11+$0xFFFFFFE0];
	[tilespmem:s9+$0xFFFFFF80] =	vst v4;
	s9 =	smov.u32 s11  }
0x3c: {  	v4 =	vmul.f32 $8.000000000e+00, v6;
	v6 =	vld [tilespmem:s11+$0xFFFFFFF0];
	[tilespmem:s11+$0x70] =	vst v7  }
0x3d: {  	[tilespmem:s11+$0xFFFFFF90] =	vst v1;
	v1 =	vmul.f32 $8.000000000e+00, v2;
	v2 =	vld [tilespmem:s11+$0x0]  }
0x3e: {  	[tilespmem:s11+$0xFFFFFFA0] =	vst v4;
	v3 =	vmul.f32 $8.000000000e+00, v3;
	v4 =	vld [tilespmem:s11+$0x10]  }
0x3f: {  	[tilespmem:s11+$0xFFFFFFB0] =	vst v1;
	v1 =	vmul.f32 $8.000000000e+00, v0;
	v7 =	vld [tilespmem:s11+$0x20]  }
.Ltmp0:
0x40: {  	[tilespmem:s11+$0xFFFFFFC0] =	vst v3;
	v3 =	vmul.f32 $8.000000000e+00, v5;
	v0 =	vld [tilespmem:s11+$0x30];
	(pc) =	sbr.rel @p0 .LBB2_2-.Ltmp0, $4  }
0x41: {  	[tilespmem:s11+$0xFFFFFFD0] =	vst v1;
	v5 =	vmul.f32 $8.000000000e+00, v6;
	v1 =	vld [tilespmem:s11+$0x40]  }
0x42: {  	[tilespmem:s11+$0xFFFFFFE0] =	vst v3;
	v6 =	vmul.f32 $8.000000000e+00, v2;
	v2 =	vld [tilespmem:s11+$0x50]  }
0x43: {  	[tilespmem:s11+$0xFFFFFFF0] =	vst v5;
	v5 =	vmul.f32 $8.000000000e+00, v4;
	v3 =	vld [tilespmem:s11+$0x60]  }
0x44: {  	s11 =	sadd.s32 $0x100, s11;
	v4 =	vld [tilespmem:s9+$0xFFFFFF80];
	[tilespmem:s9+$0x0] =	vst v6;
	v6 =	vmul.f32 $8.000000000e+00, v7  }
0x45: {  	[tilespmem:s9+$0x10] =	vst v5;
	v0 =	vmul.f32 $8.000000000e+00, v0  }
0x46: {  	[tilespmem:s9+$0x20] =	vst v6;
	v1 =	vmul.f32 $8.000000000e+00, v1  }
0x47: {  	[tilespmem:s9+$0x30] =	vst v0;
	v0 =	vmul.f32 $8.000000000e+00, v2  }
0x48: {  	[tilespmem:s9+$0x40] =	vst v1;
	v1 =	vmul.f32 $8.000000000e+00, v3  }
0x49: {  	v2 =	vmul.f32 $8.000000000e+00, v4;
	[tilespmem:s9+$0x50] =	vst v0  }
0x4a: {  	[tilespmem:s9+$0x60] =	vst v1  }
0x4b: {  	[tilespmem:s9+$0xFFFFFF80] =	vst v2  }
0x4c: {  	[hbm4b:s8+s3] =	stream.linear.scatter [tilespmem:s21], [sflag:$0x5], $0x4000, $0x38;
	[tilespmem:$0x16400] =	vst v63  }
0x4d: {  	_ =	swait.ge [sflag:s29], $0x4000  }
0x4e: {  	[sflag:s29] =	ssyncset.done $0x0  }
0x4f: {  	s9 =	simm.s32 $0xA480;
	[sflag:s29] =	ssyncadd.s32 $0xFFFFC000  }
0x50: {  	v0 =	vld [tilespmem:s9+$0x70]  }
0x51: {  	v1 =	vld [tilespmem:s9+$0xFFFFFF90]  }
0x52: {  	v2 =	vld [tilespmem:s9+$0xFFFFFFA0]  }
0x53: {  	v3 =	vld [tilespmem:s9+$0xFFFFFFB0]  }
0x54: {  	v4 =	vld [tilespmem:s9+$0xFFFFFFC0]  }
0x55: {  	v5 =	vld [tilespmem:s9+$0xFFFFFFD0];
	v0 =	vmul.f32 $8.000000000e+00, v0  }
0x56: {  	v6 =	vld [tilespmem:s9+$0xFFFFFFE0];
	v1 =	vmul.f32 $8.000000000e+00, v1  }
0x57: {  	v7 =	vld [tilespmem:s9+$0xFFFFFFF0];
	v2 =	vmul.f32 $8.000000000e+00, v2;
	[tilespmem:s9+$0x70] =	vst v0  }
0x58: {  	[tilespmem:s9+$0xFFFFFF90] =	vst v1;
	v0 =	vmul.f32 $8.000000000e+00, v3;
	v3 =	vld [tilespmem:s9+$0x0]  }
0x59: {  	[tilespmem:s9+$0xFFFFFFA0] =	vst v2;
	v1 =	vmul.f32 $8.000000000e+00, v4;
	v4 =	vld [tilespmem:s9+$0x10]  }
0x5a: {  	v8 =	vld [tilespmem:s9+$0x20];
	v2 =	vmul.f32 $8.000000000e+00, v5;
	[tilespmem:s9+$0xFFFFFFB0] =	vst v0  }
0x5b: {  	v5 =	vmul.f32 $8.000000000e+00, v6;
	[tilespmem:s9+$0xFFFFFFC0] =	vst v1;
	v0 =	vld [tilespmem:s9+$0x30]  }
0x5c: {  	v6 =	vmul.f32 $8.000000000e+00, v7;
	[tilespmem:s9+$0xFFFFFFD0] =	vst v2;
	v1 =	vld [tilespmem:s9+$0x40]  }
0x5d: {  	[tilespmem:s9+$0xFFFFFFE0] =	vst v5;
	v2 =	vld [tilespmem:s9+$0x50];
	v7 =	vmul.f32 $8.000000000e+00, v3  }
0x5e: {  	[tilespmem:s9+$0xFFFFFFF0] =	vst v6;
	v3 =	vld [tilespmem:s9+$0x60];
	v5 =	vmul.f32 $8.000000000e+00, v4  }
0x5f: {  	s10 =	simm.s32 $0x0;
	s11 =	simm.s32 $0xA580;
	v6 =	vmul.f32 $8.000000000e+00, v8;
	v4 =	vld [tilespmem:s9+$0xFFFFFF80];
	[tilespmem:s9+$0x0] =	vst v7  }
.LBB2_4:
0x60: {  	v7 =	vld [tilespmem:s11+$0x70];
	s10 =	sadd.s32 $0x4, s10;
	[tilespmem:s9+$0x10] =	vst v5;
	v0 =	vmul.f32 $8.000000000e+00, v0  }
0x61: {  	v5 =	vld [tilespmem:s11+$0xFFFFFF90];
	p0 =	slt.u32 s10, $0xFC;
	[tilespmem:s9+$0x20] =	vst v6;
	v1 =	vmul.f32 $8.000000000e+00, v1  }
0x62: {  	v6 =	vld [tilespmem:s11+$0xFFFFFFA0];
	[tilespmem:s9+$0x30] =	vst v0;
	v0 =	vmul.f32 $8.000000000e+00, v2  }
0x63: {  	v2 =	vld [tilespmem:s11+$0xFFFFFFB0];
	[tilespmem:s9+$0x40] =	vst v1;
	v1 =	vmul.f32 $8.000000000e+00, v3  }
0x64: {  	v3 =	vld [tilespmem:s11+$0xFFFFFFC0];
	v4 =	vmul.f32 $8.000000000e+00, v4;
	[tilespmem:s9+$0x50] =	vst v0  }
0x65: {  	v0 =	vld [tilespmem:s11+$0xFFFFFFD0];
	v7 =	vmul.f32 $8.000000000e+00, v7;
	[tilespmem:s9+$0x60] =	vst v1  }
0x66: {  	v1 =	vmul.f32 $8.000000000e+00, v5;
	v5 =	vld [tilespmem:s11+$0xFFFFFFE0];
	[tilespmem:s9+$0xFFFFFF80] =	vst v4;
	s9 =	smov.u32 s11  }
0x67: {  	v4 =	vmul.f32 $8.000000000e+00, v6;
	v6 =	vld [tilespmem:s11+$0xFFFFFFF0];
	[tilespmem:s11+$0x70] =	vst v7  }
0x68: {  	[tilespmem:s11+$0xFFFFFF90] =	vst v1;
	v1 =	vmul.f32 $8.000000000e+00, v2;
	v2 =	vld [tilespmem:s11+$0x0]  }
0x69: {  	[tilespmem:s11+$0xFFFFFFA0] =	vst v4;
	v3 =	vmul.f32 $8.000000000e+00, v3;
	v4 =	vld [tilespmem:s11+$0x10]  }
0x6a: {  	[tilespmem:s11+$0xFFFFFFB0] =	vst v1;
	v1 =	vmul.f32 $8.000000000e+00, v0;
	v7 =	vld [tilespmem:s11+$0x20]  }
.Ltmp1:
0x6b: {  	[tilespmem:s11+$0xFFFFFFC0] =	vst v3;
	v3 =	vmul.f32 $8.000000000e+00, v5;
	v0 =	vld [tilespmem:s11+$0x30];
	(pc) =	sbr.rel @p0 .LBB2_4-.Ltmp1, $4  }
0x6c: {  	[tilespmem:s11+$0xFFFFFFD0] =	vst v1;
	v5 =	vmul.f32 $8.000000000e+00, v6;
	v1 =	vld [tilespmem:s11+$0x40]  }
0x6d: {  	[tilespmem:s11+$0xFFFFFFE0] =	vst v3;
	v6 =	vmul.f32 $8.000000000e+00, v2;
	v2 =	vld [tilespmem:s11+$0x50]  }
0x6e: {  	[tilespmem:s11+$0xFFFFFFF0] =	vst v5;
	v5 =	vmul.f32 $8.000000000e+00, v4;
	v3 =	vld [tilespmem:s11+$0x60]  }
0x6f: {  	s11 =	sadd.s32 $0x100, s11;
	v4 =	vld [tilespmem:s9+$0xFFFFFF80];
	[tilespmem:s9+$0x0] =	vst v6;
	v6 =	vmul.f32 $8.000000000e+00, v7  }
0x70: {  	[tilespmem:s9+$0x10] =	vst v5;
	v0 =	vmul.f32 $8.000000000e+00, v0  }
0x71: {  	[tilespmem:s9+$0x20] =	vst v6;
	v1 =	vmul.f32 $8.000000000e+00, v1  }
0x72: {  	[tilespmem:s9+$0x30] =	vst v0;
	v0 =	vmul.f32 $8.000000000e+00, v2  }
0x73: {  	[tilespmem:s9+$0x40] =	vst v1;
	v1 =	vmul.f32 $8.000000000e+00, v3  }
0x74: {  	v2 =	vmul.f32 $8.000000000e+00, v4;
	[tilespmem:s9+$0x50] =	vst v0  }
0x75: {  	[tilespmem:s9+$0x60] =	vst v1  }
0x76: {  	[tilespmem:s9+$0xFFFFFF80] =	vst v2  }
0x77: {  	s9 =	rddreg [dreg:$0x5]  }
0x78: {  	[hbm4b:s9+s3] =	stream.linear.scatter [tilespmem:s22], [sflag:$0x6], $0x4000, $0x38;
	[tilespmem:$0x16400] =	vst v63  }
0x79: {  	_ =	swait.ge [sflag:s30], $0x4000  }
0x7a: {  	[sflag:s30] =	ssyncset.done $0x0  }
0x7b: {  	s17 =	simm.s32 $0x400;
	[sflag:s30] =	ssyncadd.s32 $0xFFFFC000  }
0x7c: {  	[tilespmem:s21], [sflag:$0x1] =	stream.indirect.gather [hbm4b:s5+s20], $0x40, s17, s20, $0xb8;
	[tilespmem:$0x16400] =	vst v63  }
0x7d: {  	_ =	swait.ge [sflag:s0], $0x4000  }
0x7e: {  	[sflag:s0] =	ssyncset.done $0x0  }
0x7f: {  	s9 =	simm.s32 $0xE480;
	[sflag:s0] =	ssyncadd.s32 $0xFFFFC000  }
0x80: {  	v0 =	vld [tilespmem:s9+$0x70]  }
0x81: {  	v1 =	vld [tilespmem:s9+$0xFFFFFF90]  }
0x82: {  	v2 =	vld [tilespmem:s9+$0xFFFFFFA0]  }
0x83: {  	v3 =	vld [tilespmem:s9+$0xFFFFFFB0]  }
0x84: {  	v4 =	vld [tilespmem:s9+$0xFFFFFFC0]  }
0x85: {  	v5 =	vld [tilespmem:s9+$0xFFFFFFD0];
	v0 =	vmul.f32 $8.000000000e+00, v0  }
0x86: {  	v6 =	vld [tilespmem:s9+$0xFFFFFFE0];
	v1 =	vmul.f32 $8.000000000e+00, v1  }
0x87: {  	v7 =	vld [tilespmem:s9+$0xFFFFFFF0];
	v2 =	vmul.f32 $8.000000000e+00, v2;
	[tilespmem:s9+$0x70] =	vst v0  }
0x88: {  	[tilespmem:s9+$0xFFFFFF90] =	vst v1;
	v0 =	vmul.f32 $8.000000000e+00, v3;
	v3 =	vld [tilespmem:s9+$0x0]  }
0x89: {  	[tilespmem:s9+$0xFFFFFFA0] =	vst v2;
	v1 =	vmul.f32 $8.000000000e+00, v4;
	v4 =	vld [tilespmem:s9+$0x10]  }
0x8a: {  	v8 =	vld [tilespmem:s9+$0x20];
	v2 =	vmul.f32 $8.000000000e+00, v5;
	[tilespmem:s9+$0xFFFFFFB0] =	vst v0  }
0x8b: {  	v5 =	vmul.f32 $8.000000000e+00, v6;
	[tilespmem:s9+$0xFFFFFFC0] =	vst v1;
	v0 =	vld [tilespmem:s9+$0x30]  }
0x8c: {  	v6 =	vmul.f32 $8.000000000e+00, v7;
	[tilespmem:s9+$0xFFFFFFD0] =	vst v2;
	v1 =	vld [tilespmem:s9+$0x40]  }
0x8d: {  	[tilespmem:s9+$0xFFFFFFE0] =	vst v5;
	v2 =	vld [tilespmem:s9+$0x50];
	v7 =	vmul.f32 $8.000000000e+00, v3  }
0x8e: {  	[tilespmem:s9+$0xFFFFFFF0] =	vst v6;
	v3 =	vld [tilespmem:s9+$0x60];
	v5 =	vmul.f32 $8.000000000e+00, v4  }
0x8f: {  	s10 =	simm.s32 $0x0;
	s11 =	simm.s32 $0xE580;
	v6 =	vmul.f32 $8.000000000e+00, v8;
	v4 =	vld [tilespmem:s9+$0xFFFFFF80];
	[tilespmem:s9+$0x0] =	vst v7  }
.LBB2_6:
0x90: {  	v7 =	vld [tilespmem:s11+$0x70];
	s10 =	sadd.s32 $0x4, s10;
	[tilespmem:s9+$0x10] =	vst v5;
	v0 =	vmul.f32 $8.000000000e+00, v0  }
0x91: {  	v5 =	vld [tilespmem:s11+$0xFFFFFF90];
	p0 =	slt.u32 s10, $0xFC;
	[tilespmem:s9+$0x20] =	vst v6;
	v1 =	vmul.f32 $8.000000000e+00, v1  }
0x92: {  	v6 =	vld [tilespmem:s11+$0xFFFFFFA0];
	[tilespmem:s9+$0x30] =	vst v0;
	v0 =	vmul.f32 $8.000000000e+00, v2  }
0x93: {  	v2 =	vld [tilespmem:s11+$0xFFFFFFB0];
	[tilespmem:s9+$0x40] =	vst v1;
	v1 =	vmul.f32 $8.000000000e+00, v3  }
0x94: {  	v3 =	vld [tilespmem:s11+$0xFFFFFFC0];
	v4 =	vmul.f32 $8.000000000e+00, v4;
	[tilespmem:s9+$0x50] =	vst v0  }
0x95: {  	v0 =	vld [tilespmem:s11+$0xFFFFFFD0];
	v7 =	vmul.f32 $8.000000000e+00, v7;
	[tilespmem:s9+$0x60] =	vst v1  }
0x96: {  	v1 =	vmul.f32 $8.000000000e+00, v5;
	v5 =	vld [tilespmem:s11+$0xFFFFFFE0];
	[tilespmem:s9+$0xFFFFFF80] =	vst v4;
	s9 =	smov.u32 s11  }
0x97: {  	v4 =	vmul.f32 $8.000000000e+00, v6;
	v6 =	vld [tilespmem:s11+$0xFFFFFFF0];
	[tilespmem:s11+$0x70] =	vst v7  }
0x98: {  	[tilespmem:s11+$0xFFFFFF90] =	vst v1;
	v1 =	vmul.f32 $8.000000000e+00, v2;
	v2 =	vld [tilespmem:s11+$0x0]  }
0x99: {  	[tilespmem:s11+$0xFFFFFFA0] =	vst v4;
	v3 =	vmul.f32 $8.000000000e+00, v3;
	v4 =	vld [tilespmem:s11+$0x10]  }
0x9a: {  	[tilespmem:s11+$0xFFFFFFB0] =	vst v1;
	v1 =	vmul.f32 $8.000000000e+00, v0;
	v7 =	vld [tilespmem:s11+$0x20]  }
.Ltmp2:
0x9b: {  	[tilespmem:s11+$0xFFFFFFC0] =	vst v3;
	v3 =	vmul.f32 $8.000000000e+00, v5;
	v0 =	vld [tilespmem:s11+$0x30];
	(pc) =	sbr.rel @p0 .LBB2_6-.Ltmp2, $4  }
0x9c: {  	[tilespmem:s11+$0xFFFFFFD0] =	vst v1;
	v5 =	vmul.f32 $8.000000000e+00, v6;
	v1 =	vld [tilespmem:s11+$0x40]  }
0x9d: {  	[tilespmem:s11+$0xFFFFFFE0] =	vst v3;
	v6 =	vmul.f32 $8.000000000e+00, v2;
	v2 =	vld [tilespmem:s11+$0x50]  }
0x9e: {  	[tilespmem:s11+$0xFFFFFFF0] =	vst v5;
	v5 =	vmul.f32 $8.000000000e+00, v4;
	v3 =	vld [tilespmem:s11+$0x60]  }
0x9f: {  	s11 =	sadd.s32 $0x100, s11;
	v4 =	vld [tilespmem:s9+$0xFFFFFF80];
	[tilespmem:s9+$0x0] =	vst v6;
	v6 =	vmul.f32 $8.000000000e+00, v7  }
0xa0: {  	[tilespmem:s9+$0x10] =	vst v5;
	v0 =	vmul.f32 $8.000000000e+00, v0  }
0xa1: {  	[tilespmem:s9+$0x20] =	vst v6;
	v1 =	vmul.f32 $8.000000000e+00, v1  }
0xa2: {  	[tilespmem:s9+$0x30] =	vst v0;
	v0 =	vmul.f32 $8.000000000e+00, v2  }
0xa3: {  	[tilespmem:s9+$0x40] =	vst v1;
	v1 =	vmul.f32 $8.000000000e+00, v3  }
0xa4: {  	v2 =	vmul.f32 $8.000000000e+00, v4;
	[tilespmem:s9+$0x50] =	vst v0  }
0xa5: {  	[tilespmem:s9+$0x60] =	vst v1  }
0xa6: {  	[tilespmem:s9+$0xFFFFFF80] =	vst v2  }
0xa7: {  	s9 =	rddreg [dreg:$0x6]  }
0xa8: {  	[hbm4b:s9+s3] =	stream.linear.scatter [tilespmem:s24], [sflag:$0x7], $0x4000, $0x38;
	[tilespmem:$0x16400] =	vst v63  }
0xa9: {  	_ =	swait.ge [sflag:s1], $0x4000  }
0xaa: {  	[sflag:s1] =	ssyncset.done $0x0  }
0xab: {  	s17 =	simm.s32 $0x500;
	[sflag:s1] =	ssyncadd.s32 $0xFFFFC000  }
0xac: {  	[tilespmem:s22], [sflag:$0x2] =	stream.indirect.gather [hbm4b:s5+s20], $0x40, s17, s20, $0xb8;
	[tilespmem:$0x16400] =	vst v63  }
0xad: {  	_ =	swait.ge [sflag:s25], $0x4000  }
0xae: {  	[sflag:s25] =	ssyncset.done $0x0  }
0xaf: {  	s9 =	simm.s32 $0x12480;
	[sflag:s25] =	ssyncadd.s32 $0xFFFFC000  }
0xb0: {  	v0 =	vld [tilespmem:s9+$0x70]  }
0xb1: {  	v1 =	vld [tilespmem:s9+$0xFFFFFF90]  }
0xb2: {  	v2 =	vld [tilespmem:s9+$0xFFFFFFA0]  }
0xb3: {  	v3 =	vld [tilespmem:s9+$0xFFFFFFB0]  }
0xb4: {  	v4 =	vld [tilespmem:s9+$0xFFFFFFC0]  }
0xb5: {  	v5 =	vld [tilespmem:s9+$0xFFFFFFD0];
	v0 =	vmul.f32 $8.000000000e+00, v0  }
0xb6: {  	v6 =	vld [tilespmem:s9+$0xFFFFFFE0];
	v1 =	vmul.f32 $8.000000000e+00, v1  }
0xb7: {  	v7 =	vld [tilespmem:s9+$0xFFFFFFF0];
	v2 =	vmul.f32 $8.000000000e+00, v2;
	[tilespmem:s9+$0x70] =	vst v0  }
0xb8: {  	[tilespmem:s9+$0xFFFFFF90] =	vst v1;
	v0 =	vmul.f32 $8.000000000e+00, v3;
	v3 =	vld [tilespmem:s9+$0x0]  }
0xb9: {  	[tilespmem:s9+$0xFFFFFFA0] =	vst v2;
	v1 =	vmul.f32 $8.000000000e+00, v4;
	v4 =	vld [tilespmem:s9+$0x10]  }
0xba: {  	v8 =	vld [tilespmem:s9+$0x20];
	v2 =	vmul.f32 $8.000000000e+00, v5;
	[tilespmem:s9+$0xFFFFFFB0] =	vst v0  }
0xbb: {  	v5 =	vmul.f32 $8.000000000e+00, v6;
	[tilespmem:s9+$0xFFFFFFC0] =	vst v1;
	v0 =	vld [tilespmem:s9+$0x30]  }
0xbc: {  	v6 =	vmul.f32 $8.000000000e+00, v7;
	[tilespmem:s9+$0xFFFFFFD0] =	vst v2;
	v1 =	vld [tilespmem:s9+$0x40]  }
0xbd: {  	[tilespmem:s9+$0xFFFFFFE0] =	vst v5;
	v2 =	vld [tilespmem:s9+$0x50];
	v7 =	vmul.f32 $8.000000000e+00, v3  }
0xbe: {  	[tilespmem:s9+$0xFFFFFFF0] =	vst v6;
	v3 =	vld [tilespmem:s9+$0x60];
	v5 =	vmul.f32 $8.000000000e+00, v4  }
0xbf: {  	s10 =	simm.s32 $0x0;
	s11 =	simm.s32 $0x12580;
	v6 =	vmul.f32 $8.000000000e+00, v8;
	v4 =	vld [tilespmem:s9+$0xFFFFFF80];
	[tilespmem:s9+$0x0] =	vst v7  }
.LBB2_8:
0xc0: {  	v7 =	vld [tilespmem:s11+$0x70];
	s10 =	sadd.s32 $0x4, s10;
	[tilespmem:s9+$0x10] =	vst v5;
	v0 =	vmul.f32 $8.000000000e+00, v0  }
0xc1: {  	v5 =	vld [tilespmem:s11+$0xFFFFFF90];
	p0 =	slt.u32 s10, $0xFC;
	[tilespmem:s9+$0x20] =	vst v6;
	v1 =	vmul.f32 $8.000000000e+00, v1  }
0xc2: {  	v6 =	vld [tilespmem:s11+$0xFFFFFFA0];
	[tilespmem:s9+$0x30] =	vst v0;
	v0 =	vmul.f32 $8.000000000e+00, v2  }
0xc3: {  	v2 =	vld [tilespmem:s11+$0xFFFFFFB0];
	[tilespmem:s9+$0x40] =	vst v1;
	v1 =	vmul.f32 $8.000000000e+00, v3  }
0xc4: {  	v3 =	vld [tilespmem:s11+$0xFFFFFFC0];
	v4 =	vmul.f32 $8.000000000e+00, v4;
	[tilespmem:s9+$0x50] =	vst v0  }
0xc5: {  	v0 =	vld [tilespmem:s11+$0xFFFFFFD0];
	v7 =	vmul.f32 $8.000000000e+00, v7;
	[tilespmem:s9+$0x60] =	vst v1  }
0xc6: {  	v1 =	vmul.f32 $8.000000000e+00, v5;
	v5 =	vld [tilespmem:s11+$0xFFFFFFE0];
	[tilespmem:s9+$0xFFFFFF80] =	vst v4;
	s9 =	smov.u32 s11  }
0xc7: {  	v4 =	vmul.f32 $8.000000000e+00, v6;
	v6 =	vld [tilespmem:s11+$0xFFFFFFF0];
	[tilespmem:s11+$0x70] =	vst v7  }
0xc8: {  	[tilespmem:s11+$0xFFFFFF90] =	vst v1;
	v1 =	vmul.f32 $8.000000000e+00, v2;
	v2 =	vld [tilespmem:s11+$0x0]  }
0xc9: {  	[tilespmem:s11+$0xFFFFFFA0] =	vst v4;
	v3 =	vmul.f32 $8.000000000e+00, v3;
	v4 =	vld [tilespmem:s11+$0x10]  }
0xca: {  	[tilespmem:s11+$0xFFFFFFB0] =	vst v1;
	v1 =	vmul.f32 $8.000000000e+00, v0;
	v7 =	vld [tilespmem:s11+$0x20]  }
.Ltmp3:
0xcb: {  	[tilespmem:s11+$0xFFFFFFC0] =	vst v3;
	v3 =	vmul.f32 $8.000000000e+00, v5;
	v0 =	vld [tilespmem:s11+$0x30];
	(pc) =	sbr.rel @p0 .LBB2_8-.Ltmp3, $4  }
0xcc: {  	[tilespmem:s11+$0xFFFFFFD0] =	vst v1;
	v5 =	vmul.f32 $8.000000000e+00, v6;
	v1 =	vld [tilespmem:s11+$0x40]  }
0xcd: {  	[tilespmem:s11+$0xFFFFFFE0] =	vst v3;
	v6 =	vmul.f32 $8.000000000e+00, v2;
	v2 =	vld [tilespmem:s11+$0x50]  }
0xce: {  	[tilespmem:s11+$0xFFFFFFF0] =	vst v5;
	v5 =	vmul.f32 $8.000000000e+00, v4;
	v3 =	vld [tilespmem:s11+$0x60]  }
0xcf: {  	s11 =	sadd.s32 $0x100, s11;
	v4 =	vld [tilespmem:s9+$0xFFFFFF80];
	[tilespmem:s9+$0x0] =	vst v6;
	v6 =	vmul.f32 $8.000000000e+00, v7  }
0xd0: {  	[tilespmem:s9+$0x10] =	vst v5;
	v0 =	vmul.f32 $8.000000000e+00, v0  }
0xd1: {  	[tilespmem:s9+$0x20] =	vst v6;
	v1 =	vmul.f32 $8.000000000e+00, v1  }
0xd2: {  	[tilespmem:s9+$0x30] =	vst v0;
	v61 =	vmul.f32 $8.000000000e+00, v2  }
0xd3: {  	[tilespmem:s9+$0x40] =	vst v1;
	v62 =	vmul.f32 $8.000000000e+00, v3  }
0xd4: {  	v63 =	vmul.f32 $8.000000000e+00, v4;
	[tilespmem:s9+$0x50] =	vst v61  }
0xd5: {  	[tilespmem:s9+$0x60] =	vst v62  }
0xd6: {  	[tilespmem:s9+$0xFFFFFF80] =	vst v63  }
0xd7: {  	s9 =	rddreg [dreg:$0x7]  }
0xd8: {  	[hbm4b:s9+s3] =	stream.linear.scatter [tilespmem:s26], [sflag:$0x8], $0x4000, $0x38;
	[tilespmem:$0x16400] =	vst v63  }
0xd9: {  	_ =	swait.ge [sflag:s31], $0x4000  }
0xda: {  	[sflag:s31] =	ssyncset.done $0x0  }
0xdb: {  	s17 =	simm.s32 $0x600;
	s9 =	simm.s32 $0x1;
	[sflag:s31] =	ssyncadd.s32 $0xFFFFC000  }
0xdc: {  	[tilespmem:s24], [sflag:$0x3] =	stream.indirect.gather [hbm4b:s5+s20], $0x40, s17, s20, $0xb8;
	[tilespmem:$0x16400] =	vst v63  }
.LBB2_10:
0xdd: {  	_ =	swait.ge [sflag:s28], $0x4000  }
0xde: {  	[sflag:s28] =	ssyncset.done $0x0  }
0xdf: {  	s10 =	simm.s32 $0x6480;
	[sflag:s28] =	ssyncadd.s32 $0xFFFFC000  }
0xe0: {  	v0 =	vld [tilespmem:s10+$0x70]  }
0xe1: {  	v1 =	vld [tilespmem:s10+$0xFFFFFF90]  }
0xe2: {  	v2 =	vld [tilespmem:s10+$0xFFFFFFA0]  }
0xe3: {  	v3 =	vld [tilespmem:s10+$0xFFFFFFB0]  }
0xe4: {  	v4 =	vld [tilespmem:s10+$0xFFFFFFC0]  }
0xe5: {  	v5 =	vld [tilespmem:s10+$0xFFFFFFD0];
	v0 =	vmul.f32 $8.000000000e+00, v0  }
0xe6: {  	v6 =	vld [tilespmem:s10+$0xFFFFFFE0];
	v1 =	vmul.f32 $8.000000000e+00, v1  }
0xe7: {  	v7 =	vld [tilespmem:s10+$0xFFFFFFF0];
	v2 =	vmul.f32 $8.000000000e+00, v2;
	[tilespmem:s10+$0x70] =	vst v0  }
0xe8: {  	[tilespmem:s10+$0xFFFFFF90] =	vst v1;
	v0 =	vmul.f32 $8.000000000e+00, v3;
	v3 =	vld [tilespmem:s10+$0x0]  }
0xe9: {  	[tilespmem:s10+$0xFFFFFFA0] =	vst v2;
	v1 =	vmul.f32 $8.000000000e+00, v4;
	v4 =	vld [tilespmem:s10+$0x10]  }
0xea: {  	v8 =	vld [tilespmem:s10+$0x20];
	v2 =	vmul.f32 $8.000000000e+00, v5;
	[tilespmem:s10+$0xFFFFFFB0] =	vst v0  }
0xeb: {  	v5 =	vmul.f32 $8.000000000e+00, v6;
	[tilespmem:s10+$0xFFFFFFC0] =	vst v1;
	v0 =	vld [tilespmem:s10+$0x30]  }
0xec: {  	v6 =	vmul.f32 $8.000000000e+00, v7;
	[tilespmem:s10+$0xFFFFFFD0] =	vst v2;
	v1 =	vld [tilespmem:s10+$0x40]  }
0xed: {  	[tilespmem:s10+$0xFFFFFFE0] =	vst v5;
	v2 =	vld [tilespmem:s10+$0x50];
	v7 =	vmul.f32 $8.000000000e+00, v3  }
0xee: {  	[tilespmem:s10+$0xFFFFFFF0] =	vst v6;
	v3 =	vld [tilespmem:s10+$0x60];
	v5 =	vmul.f32 $8.000000000e+00, v4  }
0xef: {  	s11 =	simm.s32 $0x0;
	s14 =	simm.s32 $0x6580;
	v6 =	vmul.f32 $8.000000000e+00, v8;
	v4 =	vld [tilespmem:s10+$0xFFFFFF80];
	[tilespmem:s10+$0x0] =	vst v7  }
.LBB2_11:
0xf0: {  	v7 =	vld [tilespmem:s14+$0x70];
	s11 =	sadd.s32 $0x4, s11;
	[tilespmem:s10+$0x10] =	vst v5;
	v0 =	vmul.f32 $8.000000000e+00, v0  }
0xf1: {  	v5 =	vld [tilespmem:s14+$0xFFFFFF90];
	p0 =	slt.u32 s11, $0xFC;
	[tilespmem:s10+$0x20] =	vst v6;
	v1 =	vmul.f32 $8.000000000e+00, v1  }
0xf2: {  	v6 =	vld [tilespmem:s14+$0xFFFFFFA0];
	[tilespmem:s10+$0x30] =	vst v0;
	v0 =	vmul.f32 $8.000000000e+00, v2  }
0xf3: {  	v2 =	vld [tilespmem:s14+$0xFFFFFFB0];
	[tilespmem:s10+$0x40] =	vst v1;
	v1 =	vmul.f32 $8.000000000e+00, v3  }
0xf4: {  	v3 =	vld [tilespmem:s14+$0xFFFFFFC0];
	v4 =	vmul.f32 $8.000000000e+00, v4;
	[tilespmem:s10+$0x50] =	vst v0  }
0xf5: {  	v0 =	vld [tilespmem:s14+$0xFFFFFFD0];
	v7 =	vmul.f32 $8.000000000e+00, v7;
	[tilespmem:s10+$0x60] =	vst v1  }
0xf6: {  	v1 =	vmul.f32 $8.000000000e+00, v5;
	v5 =	vld [tilespmem:s14+$0xFFFFFFE0];
	[tilespmem:s10+$0xFFFFFF80] =	vst v4;
	s10 =	smov.u32 s14  }
0xf7: {  	v4 =	vmul.f32 $8.000000000e+00, v6;
	v6 =	vld [tilespmem:s14+$0xFFFFFFF0];
	[tilespmem:s14+$0x70] =	vst v7  }
0xf8: {  	[tilespmem:s14+$0xFFFFFF90] =	vst v1;
	v1 =	vmul.f32 $8.000000000e+00, v2;
	v2 =	vld [tilespmem:s14+$0x0]  }
0xf9: {  	[tilespmem:s14+$0xFFFFFFA0] =	vst v4;
	v3 =	vmul.f32 $8.000000000e+00, v3;
	v4 =	vld [tilespmem:s14+$0x10]  }
0xfa: {  	[tilespmem:s14+$0xFFFFFFB0] =	vst v1;
	v1 =	vmul.f32 $8.000000000e+00, v0;
	v7 =	vld [tilespmem:s14+$0x20]  }
.Ltmp4:
0xfb: {  	[tilespmem:s14+$0xFFFFFFC0] =	vst v3;
	v3 =	vmul.f32 $8.000000000e+00, v5;
	v0 =	vld [tilespmem:s14+$0x30];
	(pc) =	sbr.rel @p0 .LBB2_11-.Ltmp4, $4  }
0xfc: {  	[tilespmem:s14+$0xFFFFFFD0] =	vst v1;
	v5 =	vmul.f32 $8.000000000e+00, v6;
	v1 =	vld [tilespmem:s14+$0x40]  }
0xfd: {  	[tilespmem:s14+$0xFFFFFFE0] =	vst v3;
	v6 =	vmul.f32 $8.000000000e+00, v2;
	v2 =	vld [tilespmem:s14+$0x50]  }
0xfe: {  	[tilespmem:s14+$0xFFFFFFF0] =	vst v5;
	v5 =	vmul.f32 $8.000000000e+00, v4;
	v3 =	vld [tilespmem:s14+$0x60]  }
0xff: {  	s14 =	sadd.s32 $0x100, s14;
	v4 =	vld [tilespmem:s10+$0xFFFFFF80];
	[tilespmem:s10+$0x0] =	vst v6;
	v6 =	vmul.f32 $8.000000000e+00, v7  }
0x100: {  	[tilespmem:s10+$0x10] =	vst v5;
	v0 =	vmul.f32 $8.000000000e+00, v0  }
0x101: {  	[tilespmem:s10+$0x20] =	vst v6;
	v1 =	vmul.f32 $8.000000000e+00, v1  }
0x102: {  	[tilespmem:s10+$0x30] =	vst v0;
	v0 =	vmul.f32 $8.000000000e+00, v2  }
0x103: {  	s11 =	sshll.u32 s9, $0x10;
	[tilespmem:s10+$0x40] =	vst v1;
	v1 =	vmul.f32 $8.000000000e+00, v3  }
0x104: {  	s11 =	sadd.s32 s6, s11;
	v2 =	vmul.f32 $8.000000000e+00, v4;
	[tilespmem:s10+$0x50] =	vst v0  }
0x105: {  	s11 =	sshrl.u32 s11, $0x3;
	[tilespmem:s10+$0x60] =	vst v1  }
0x106: {  	s17 =	sadd.s32 s2, s11;
	[tilespmem:s10+$0xFFFFFF80] =	vst v2  }
0x107: {  	[hbm4b:s17+s3] =	stream.linear.scatter [tilespmem:s21], [sflag:$0x5], $0x4000, $0x38;
	[tilespmem:$0x16400] =	vst v63  }
0x108: {  	_ =	swait.ge [sflag:s23], $0x4000  }
0x109: {  	s14 =	sshll.u32 s9, $0xA;
	[sflag:s23] =	ssyncset.done $0x0  }
0x10a: {  	s10 =	sor.u32 $0x300, s14;
	[sflag:s23] =	ssyncadd.s32 $0xFFFFC000  }
0x10b: {  	[tilespmem:s26], [sflag:$0x4] =	stream.indirect.gather [hbm4b:s5+s20], $0x40, s10, s20, $0xb8;
	[tilespmem:$0x16400] =	vst v63  }
0x10c: {  	_ =	swait.ge [sflag:s29], $0x4000  }
0x10d: {  	[sflag:s29] =	ssyncset.done $0x0  }
0x10e: {  	s11 =	simm.s32 $0xA480;
	[sflag:s29] =	ssyncadd.s32 $0xFFFFC000  }
0x10f: {  	v0 =	vld [tilespmem:s11+$0x70]  }
0x110: {  	v1 =	vld [tilespmem:s11+$0xFFFFFF90]  }
0x111: {  	v2 =	vld [tilespmem:s11+$0xFFFFFFA0]  }
0x112: {  	v3 =	vld [tilespmem:s11+$0xFFFFFFB0]  }
0x113: {  	v4 =	vld [tilespmem:s11+$0xFFFFFFC0]  }
0x114: {  	v5 =	vld [tilespmem:s11+$0xFFFFFFD0];
	v0 =	vmul.f32 $8.000000000e+00, v0  }
0x115: {  	v6 =	vld [tilespmem:s11+$0xFFFFFFE0];
	v1 =	vmul.f32 $8.000000000e+00, v1  }
0x116: {  	v7 =	vld [tilespmem:s11+$0xFFFFFFF0];
	v2 =	vmul.f32 $8.000000000e+00, v2;
	[tilespmem:s11+$0x70] =	vst v0  }
0x117: {  	[tilespmem:s11+$0xFFFFFF90] =	vst v1;
	v0 =	vmul.f32 $8.000000000e+00, v3;
	v3 =	vld [tilespmem:s11+$0x0]  }
0x118: {  	[tilespmem:s11+$0xFFFFFFA0] =	vst v2;
	v1 =	vmul.f32 $8.000000000e+00, v4;
	v4 =	vld [tilespmem:s11+$0x10]  }
0x119: {  	v8 =	vld [tilespmem:s11+$0x20];
	v2 =	vmul.f32 $8.000000000e+00, v5;
	[tilespmem:s11+$0xFFFFFFB0] =	vst v0  }
0x11a: {  	v5 =	vmul.f32 $8.000000000e+00, v6;
	[tilespmem:s11+$0xFFFFFFC0] =	vst v1;
	v0 =	vld [tilespmem:s11+$0x30]  }
0x11b: {  	v6 =	vmul.f32 $8.000000000e+00, v7;
	[tilespmem:s11+$0xFFFFFFD0] =	vst v2;
	v1 =	vld [tilespmem:s11+$0x40]  }
0x11c: {  	[tilespmem:s11+$0xFFFFFFE0] =	vst v5;
	v2 =	vld [tilespmem:s11+$0x50];
	v7 =	vmul.f32 $8.000000000e+00, v3  }
0x11d: {  	[tilespmem:s11+$0xFFFFFFF0] =	vst v6;
	v3 =	vld [tilespmem:s11+$0x60];
	v5 =	vmul.f32 $8.000000000e+00, v4  }
0x11e: {  	s15 =	simm.s32 $0x0;
	s16 =	simm.s32 $0xA580;
	v6 =	vmul.f32 $8.000000000e+00, v8;
	v4 =	vld [tilespmem:s11+$0xFFFFFF80];
	[tilespmem:s11+$0x0] =	vst v7  }
.LBB2_13:
0x11f: {  	v7 =	vld [tilespmem:s16+$0x70];
	s15 =	sadd.s32 $0x4, s15;
	[tilespmem:s11+$0x10] =	vst v5;
	v0 =	vmul.f32 $8.000000000e+00, v0  }
0x120: {  	v5 =	vld [tilespmem:s16+$0xFFFFFF90];
	p0 =	slt.u32 s15, $0xFC;
	[tilespmem:s11+$0x20] =	vst v6;
	v1 =	vmul.f32 $8.000000000e+00, v1  }
0x121: {  	v6 =	vld [tilespmem:s16+$0xFFFFFFA0];
	[tilespmem:s11+$0x30] =	vst v0;
	v0 =	vmul.f32 $8.000000000e+00, v2  }
0x122: {  	v2 =	vld [tilespmem:s16+$0xFFFFFFB0];
	[tilespmem:s11+$0x40] =	vst v1;
	v1 =	vmul.f32 $8.000000000e+00, v3  }
0x123: {  	v3 =	vld [tilespmem:s16+$0xFFFFFFC0];
	v4 =	vmul.f32 $8.000000000e+00, v4;
	[tilespmem:s11+$0x50] =	vst v0  }
0x124: {  	v0 =	vld [tilespmem:s16+$0xFFFFFFD0];
	v7 =	vmul.f32 $8.000000000e+00, v7;
	[tilespmem:s11+$0x60] =	vst v1  }
0x125: {  	v1 =	vmul.f32 $8.000000000e+00, v5;
	v5 =	vld [tilespmem:s16+$0xFFFFFFE0];
	[tilespmem:s11+$0xFFFFFF80] =	vst v4;
	s11 =	smov.u32 s16  }
0x126: {  	v4 =	vmul.f32 $8.000000000e+00, v6;
	v6 =	vld [tilespmem:s16+$0xFFFFFFF0];
	[tilespmem:s16+$0x70] =	vst v7  }
0x127: {  	[tilespmem:s16+$0xFFFFFF90] =	vst v1;
	v1 =	vmul.f32 $8.000000000e+00, v2;
	v2 =	vld [tilespmem:s16+$0x0]  }
0x128: {  	[tilespmem:s16+$0xFFFFFFA0] =	vst v4;
	v3 =	vmul.f32 $8.000000000e+00, v3;
	v4 =	vld [tilespmem:s16+$0x10]  }
0x129: {  	[tilespmem:s16+$0xFFFFFFB0] =	vst v1;
	v1 =	vmul.f32 $8.000000000e+00, v0;
	v7 =	vld [tilespmem:s16+$0x20]  }
.Ltmp5:
0x12a: {  	[tilespmem:s16+$0xFFFFFFC0] =	vst v3;
	v3 =	vmul.f32 $8.000000000e+00, v5;
	v0 =	vld [tilespmem:s16+$0x30];
	(pc) =	sbr.rel @p0 .LBB2_13-.Ltmp5, $4  }
0x12b: {  	[tilespmem:s16+$0xFFFFFFD0] =	vst v1;
	v5 =	vmul.f32 $8.000000000e+00, v6;
	v1 =	vld [tilespmem:s16+$0x40]  }
0x12c: {  	[tilespmem:s16+$0xFFFFFFE0] =	vst v3;
	v6 =	vmul.f32 $8.000000000e+00, v2;
	v2 =	vld [tilespmem:s16+$0x50]  }
0x12d: {  	[tilespmem:s16+$0xFFFFFFF0] =	vst v5;
	v5 =	vmul.f32 $8.000000000e+00, v4;
	v3 =	vld [tilespmem:s16+$0x60]  }
0x12e: {  	s16 =	sadd.s32 $0x100, s16;
	v4 =	vld [tilespmem:s11+$0xFFFFFF80];
	[tilespmem:s11+$0x0] =	vst v6;
	v6 =	vmul.f32 $8.000000000e+00, v7  }
0x12f: {  	[tilespmem:s11+$0x10] =	vst v5;
	v0 =	vmul.f32 $8.000000000e+00, v0  }
0x130: {  	[tilespmem:s11+$0x20] =	vst v6;
	v1 =	vmul.f32 $8.000000000e+00, v1  }
0x131: {  	[tilespmem:s11+$0x30] =	vst v0;
	v0 =	vmul.f32 $8.000000000e+00, v2  }
0x132: {  	s15 =	sadd.s32 s14, s12;
	[tilespmem:s11+$0x40] =	vst v1;
	v1 =	vmul.f32 $8.000000000e+00, v3  }
0x133: {  	s15 =	sshll.u32 s15, $0x3;
	v2 =	vmul.f32 $8.000000000e+00, v4;
	[tilespmem:s11+$0x50] =	vst v0  }
0x134: {  	s15 =	sand.u32 $0x1FFFE800, s15;
	[tilespmem:s11+$0x60] =	vst v1  }
0x135: {  	s16 =	sadd.s32 s2, s15;
	[tilespmem:s11+$0xFFFFFF80] =	vst v2  }
0x136: {  	[hbm4b:s16+s3] =	stream.linear.scatter [tilespmem:s22], [sflag:$0x6], $0x4000, $0x38;
	[tilespmem:$0x16400] =	vst v63  }
0x137: {  	_ =	swait.ge [sflag:s30], $0x4000  }
0x138: {  	s11 =	sand.u32 $0x3FFFFC00, s14;
	[sflag:s30] =	ssyncset.done $0x0  }
0x139: {  	s17 =	sadd.s32 $0x400, s11;
	[sflag:s30] =	ssyncadd.s32 $0xFFFFC000  }
0x13a: {  	[tilespmem:s21], [sflag:$0x1] =	stream.indirect.gather [hbm4b:s5+s20], $0x40, s17, s20, $0xb8;
	[tilespmem:$0x16400] =	vst v63  }
0x13b: {  	_ =	swait.ge [sflag:s0], $0x4000  }
0x13c: {  	[sflag:s0] =	ssyncset.done $0x0  }
0x13d: {  	s15 =	simm.s32 $0xE480;
	[sflag:s0] =	ssyncadd.s32 $0xFFFFC000  }
0x13e: {  	v0 =	vld [tilespmem:s15+$0x70]  }
0x13f: {  	v1 =	vld [tilespmem:s15+$0xFFFFFF90]  }
0x140: {  	v2 =	vld [tilespmem:s15+$0xFFFFFFA0]  }
0x141: {  	v3 =	vld [tilespmem:s15+$0xFFFFFFB0]  }
0x142: {  	v4 =	vld [tilespmem:s15+$0xFFFFFFC0]  }
0x143: {  	v5 =	vld [tilespmem:s15+$0xFFFFFFD0];
	v0 =	vmul.f32 $8.000000000e+00, v0  }
0x144: {  	v6 =	vld [tilespmem:s15+$0xFFFFFFE0];
	v1 =	vmul.f32 $8.000000000e+00, v1  }
0x145: {  	v7 =	vld [tilespmem:s15+$0xFFFFFFF0];
	v2 =	vmul.f32 $8.000000000e+00, v2;
	[tilespmem:s15+$0x70] =	vst v0  }
0x146: {  	[tilespmem:s15+$0xFFFFFF90] =	vst v1;
	v0 =	vmul.f32 $8.000000000e+00, v3;
	v3 =	vld [tilespmem:s15+$0x0]  }
0x147: {  	[tilespmem:s15+$0xFFFFFFA0] =	vst v2;
	v1 =	vmul.f32 $8.000000000e+00, v4;
	v4 =	vld [tilespmem:s15+$0x10]  }
0x148: {  	v8 =	vld [tilespmem:s15+$0x20];
	v2 =	vmul.f32 $8.000000000e+00, v5;
	[tilespmem:s15+$0xFFFFFFB0] =	vst v0  }
0x149: {  	v5 =	vmul.f32 $8.000000000e+00, v6;
	[tilespmem:s15+$0xFFFFFFC0] =	vst v1;
	v0 =	vld [tilespmem:s15+$0x30]  }
0x14a: {  	v6 =	vmul.f32 $8.000000000e+00, v7;
	[tilespmem:s15+$0xFFFFFFD0] =	vst v2;
	v1 =	vld [tilespmem:s15+$0x40]  }
0x14b: {  	[tilespmem:s15+$0xFFFFFFE0] =	vst v5;
	v2 =	vld [tilespmem:s15+$0x50];
	v7 =	vmul.f32 $8.000000000e+00, v3  }
0x14c: {  	[tilespmem:s15+$0xFFFFFFF0] =	vst v6;
	v3 =	vld [tilespmem:s15+$0x60];
	v5 =	vmul.f32 $8.000000000e+00, v4  }
0x14d: {  	s16 =	simm.s32 $0x0;
	s17 =	simm.s32 $0xE580;
	v6 =	vmul.f32 $8.000000000e+00, v8;
	v4 =	vld [tilespmem:s15+$0xFFFFFF80];
	[tilespmem:s15+$0x0] =	vst v7  }
.LBB2_15:
0x14e: {  	v7 =	vld [tilespmem:s17+$0x70];
	s16 =	sadd.s32 $0x4, s16;
	[tilespmem:s15+$0x10] =	vst v5;
	v0 =	vmul.f32 $8.000000000e+00, v0  }
0x14f: {  	v5 =	vld [tilespmem:s17+$0xFFFFFF90];
	p0 =	slt.u32 s16, $0xFC;
	[tilespmem:s15+$0x20] =	vst v6;
	v1 =	vmul.f32 $8.000000000e+00, v1  }
0x150: {  	v6 =	vld [tilespmem:s17+$0xFFFFFFA0];
	[tilespmem:s15+$0x30] =	vst v0;
	v0 =	vmul.f32 $8.000000000e+00, v2  }
0x151: {  	v2 =	vld [tilespmem:s17+$0xFFFFFFB0];
	[tilespmem:s15+$0x40] =	vst v1;
	v1 =	vmul.f32 $8.000000000e+00, v3  }
0x152: {  	v3 =	vld [tilespmem:s17+$0xFFFFFFC0];
	v4 =	vmul.f32 $8.000000000e+00, v4;
	[tilespmem:s15+$0x50] =	vst v0  }
0x153: {  	v0 =	vld [tilespmem:s17+$0xFFFFFFD0];
	v7 =	vmul.f32 $8.000000000e+00, v7;
	[tilespmem:s15+$0x60] =	vst v1  }
0x154: {  	v1 =	vmul.f32 $8.000000000e+00, v5;
	v5 =	vld [tilespmem:s17+$0xFFFFFFE0];
	[tilespmem:s15+$0xFFFFFF80] =	vst v4;
	s15 =	smov.u32 s17  }
0x155: {  	v4 =	vmul.f32 $8.000000000e+00, v6;
	v6 =	vld [tilespmem:s17+$0xFFFFFFF0];
	[tilespmem:s17+$0x70] =	vst v7  }
0x156: {  	[tilespmem:s17+$0xFFFFFF90] =	vst v1;
	v1 =	vmul.f32 $8.000000000e+00, v2;
	v2 =	vld [tilespmem:s17+$0x0]  }
0x157: {  	[tilespmem:s17+$0xFFFFFFA0] =	vst v4;
	v3 =	vmul.f32 $8.000000000e+00, v3;
	v4 =	vld [tilespmem:s17+$0x10]  }
0x158: {  	[tilespmem:s17+$0xFFFFFFB0] =	vst v1;
	v1 =	vmul.f32 $8.000000000e+00, v0;
	v7 =	vld [tilespmem:s17+$0x20]  }
.Ltmp6:
0x159: {  	[tilespmem:s17+$0xFFFFFFC0] =	vst v3;
	v3 =	vmul.f32 $8.000000000e+00, v5;
	v0 =	vld [tilespmem:s17+$0x30];
	(pc) =	sbr.rel @p0 .LBB2_15-.Ltmp6, $4  }
0x15a: {  	[tilespmem:s17+$0xFFFFFFD0] =	vst v1;
	v5 =	vmul.f32 $8.000000000e+00, v6;
	v1 =	vld [tilespmem:s17+$0x40]  }
0x15b: {  	[tilespmem:s17+$0xFFFFFFE0] =	vst v3;
	v6 =	vmul.f32 $8.000000000e+00, v2;
	v2 =	vld [tilespmem:s17+$0x50]  }
0x15c: {  	[tilespmem:s17+$0xFFFFFFF0] =	vst v5;
	v5 =	vmul.f32 $8.000000000e+00, v4;
	v3 =	vld [tilespmem:s17+$0x60]  }
0x15d: {  	s17 =	sadd.s32 $0x100, s17;
	v4 =	vld [tilespmem:s15+$0xFFFFFF80];
	[tilespmem:s15+$0x0] =	vst v6;
	v6 =	vmul.f32 $8.000000000e+00, v7  }
0x15e: {  	[tilespmem:s15+$0x10] =	vst v5;
	v0 =	vmul.f32 $8.000000000e+00, v0  }
0x15f: {  	[tilespmem:s15+$0x20] =	vst v6;
	v1 =	vmul.f32 $8.000000000e+00, v1  }
0x160: {  	[tilespmem:s15+$0x30] =	vst v0;
	v0 =	vmul.f32 $8.000000000e+00, v2  }
0x161: {  	s14 =	sadd.s32 s14, s13;
	[tilespmem:s15+$0x40] =	vst v1;
	v1 =	vmul.f32 $8.000000000e+00, v3  }
0x162: {  	s14 =	sshll.u32 s14, $0x3;
	v2 =	vmul.f32 $8.000000000e+00, v4;
	[tilespmem:s15+$0x50] =	vst v0  }
0x163: {  	s14 =	sand.u32 $0x1FFFF000, s14;
	[tilespmem:s15+$0x60] =	vst v1  }
0x164: {  	s14 =	sadd.s32 s2, s14;
	[tilespmem:s15+$0xFFFFFF80] =	vst v2  }
0x165: {  	[hbm4b:s14+s3] =	stream.linear.scatter [tilespmem:s24], [sflag:$0x7], $0x4000, $0x38;
	[tilespmem:$0x16400] =	vst v63  }
0x166: {  	_ =	swait.ge [sflag:s1], $0x4000  }
0x167: {  	[sflag:s1] =	ssyncset.done $0x0  }
0x168: {  	s17 =	sadd.s32 $0x500, s11;
	[sflag:s1] =	ssyncadd.s32 $0xFFFFC000  }
0x169: {  	[tilespmem:s22], [sflag:$0x2] =	stream.indirect.gather [hbm4b:s5+s20], $0x40, s17, s20, $0xb8;
	[tilespmem:$0x16400] =	vst v63  }
0x16a: {  	_ =	swait.ge [sflag:s25], $0x4000  }
0x16b: {  	[sflag:s25] =	ssyncset.done $0x0  }
0x16c: {  	s14 =	simm.s32 $0x12480;
	[sflag:s25] =	ssyncadd.s32 $0xFFFFC000  }
0x16d: {  	v0 =	vld [tilespmem:s14+$0x70]  }
0x16e: {  	v1 =	vld [tilespmem:s14+$0xFFFFFF90]  }
0x16f: {  	v2 =	vld [tilespmem:s14+$0xFFFFFFA0]  }
0x170: {  	v3 =	vld [tilespmem:s14+$0xFFFFFFB0]  }
0x171: {  	v4 =	vld [tilespmem:s14+$0xFFFFFFC0]  }
0x172: {  	v5 =	vld [tilespmem:s14+$0xFFFFFFD0];
	v0 =	vmul.f32 $8.000000000e+00, v0  }
0x173: {  	v6 =	vld [tilespmem:s14+$0xFFFFFFE0];
	v1 =	vmul.f32 $8.000000000e+00, v1  }
0x174: {  	v7 =	vld [tilespmem:s14+$0xFFFFFFF0];
	v2 =	vmul.f32 $8.000000000e+00, v2;
	[tilespmem:s14+$0x70] =	vst v0  }
0x175: {  	[tilespmem:s14+$0xFFFFFF90] =	vst v1;
	v0 =	vmul.f32 $8.000000000e+00, v3;
	v3 =	vld [tilespmem:s14+$0x0]  }
0x176: {  	[tilespmem:s14+$0xFFFFFFA0] =	vst v2;
	v1 =	vmul.f32 $8.000000000e+00, v4;
	v4 =	vld [tilespmem:s14+$0x10]  }
0x177: {  	v8 =	vld [tilespmem:s14+$0x20];
	v2 =	vmul.f32 $8.000000000e+00, v5;
	[tilespmem:s14+$0xFFFFFFB0] =	vst v0  }
0x178: {  	v5 =	vmul.f32 $8.000000000e+00, v6;
	[tilespmem:s14+$0xFFFFFFC0] =	vst v1;
	v0 =	vld [tilespmem:s14+$0x30]  }
0x179: {  	v6 =	vmul.f32 $8.000000000e+00, v7;
	[tilespmem:s14+$0xFFFFFFD0] =	vst v2;
	v1 =	vld [tilespmem:s14+$0x40]  }
0x17a: {  	[tilespmem:s14+$0xFFFFFFE0] =	vst v5;
	v2 =	vld [tilespmem:s14+$0x50];
	v7 =	vmul.f32 $8.000000000e+00, v3  }
0x17b: {  	[tilespmem:s14+$0xFFFFFFF0] =	vst v6;
	v3 =	vld [tilespmem:s14+$0x60];
	v5 =	vmul.f32 $8.000000000e+00, v4  }
0x17c: {  	s16 =	simm.s32 $0x12580;
	s15 =	simm.s32 $0x0;
	v6 =	vmul.f32 $8.000000000e+00, v8;
	v4 =	vld [tilespmem:s14+$0xFFFFFF80];
	[tilespmem:s14+$0x0] =	vst v7  }
.LBB2_17:
0x17d: {  	v7 =	vld [tilespmem:s16+$0x70];
	s15 =	sadd.s32 $0x4, s15;
	[tilespmem:s14+$0x10] =	vst v5;
	v0 =	vmul.f32 $8.000000000e+00, v0  }
0x17e: {  	v5 =	vld [tilespmem:s16+$0xFFFFFF90];
	p0 =	slt.u32 s15, $0xFC;
	[tilespmem:s14+$0x20] =	vst v6;
	v1 =	vmul.f32 $8.000000000e+00, v1  }
0x17f: {  	v6 =	vld [tilespmem:s16+$0xFFFFFFA0];
	[tilespmem:s14+$0x30] =	vst v0;
	v0 =	vmul.f32 $8.000000000e+00, v2  }
0x180: {  	v2 =	vld [tilespmem:s16+$0xFFFFFFB0];
	[tilespmem:s14+$0x40] =	vst v1;
	v1 =	vmul.f32 $8.000000000e+00, v3  }
0x181: {  	v3 =	vld [tilespmem:s16+$0xFFFFFFC0];
	v4 =	vmul.f32 $8.000000000e+00, v4;
	[tilespmem:s14+$0x50] =	vst v0  }
0x182: {  	v0 =	vld [tilespmem:s16+$0xFFFFFFD0];
	v7 =	vmul.f32 $8.000000000e+00, v7;
	[tilespmem:s14+$0x60] =	vst v1  }
0x183: {  	v1 =	vmul.f32 $8.000000000e+00, v5;
	v5 =	vld [tilespmem:s16+$0xFFFFFFE0];
	[tilespmem:s14+$0xFFFFFF80] =	vst v4;
	s14 =	smov.u32 s16  }
0x184: {  	v4 =	vmul.f32 $8.000000000e+00, v6;
	v6 =	vld [tilespmem:s16+$0xFFFFFFF0];
	[tilespmem:s16+$0x70] =	vst v7  }
0x185: {  	[tilespmem:s16+$0xFFFFFF90] =	vst v1;
	v1 =	vmul.f32 $8.000000000e+00, v2;
	v2 =	vld [tilespmem:s16+$0x0]  }
0x186: {  	[tilespmem:s16+$0xFFFFFFA0] =	vst v4;
	v3 =	vmul.f32 $8.000000000e+00, v3;
	v4 =	vld [tilespmem:s16+$0x10]  }
0x187: {  	[tilespmem:s16+$0xFFFFFFB0] =	vst v1;
	v1 =	vmul.f32 $8.000000000e+00, v0;
	v7 =	vld [tilespmem:s16+$0x20]  }
.Ltmp7:
0x188: {  	[tilespmem:s16+$0xFFFFFFC0] =	vst v3;
	v3 =	vmul.f32 $8.000000000e+00, v5;
	v0 =	vld [tilespmem:s16+$0x30];
	(pc) =	sbr.rel @p0 .LBB2_17-.Ltmp7, $4  }
0x189: {  	[tilespmem:s16+$0xFFFFFFD0] =	vst v1;
	v5 =	vmul.f32 $8.000000000e+00, v6;
	v1 =	vld [tilespmem:s16+$0x40]  }
0x18a: {  	[tilespmem:s16+$0xFFFFFFE0] =	vst v3;
	v6 =	vmul.f32 $8.000000000e+00, v2;
	v2 =	vld [tilespmem:s16+$0x50]  }
0x18b: {  	[tilespmem:s16+$0xFFFFFFF0] =	vst v5;
	v5 =	vmul.f32 $8.000000000e+00, v4;
	v3 =	vld [tilespmem:s16+$0x60]  }
0x18c: {  	s16 =	sadd.s32 $0x100, s16;
	v4 =	vld [tilespmem:s14+$0xFFFFFF80];
	[tilespmem:s14+$0x0] =	vst v6;
	v6 =	vmul.f32 $8.000000000e+00, v7  }
0x18d: {  	[tilespmem:s14+$0x10] =	vst v5;
	v0 =	vmul.f32 $8.000000000e+00, v0  }
0x18e: {  	[tilespmem:s14+$0x20] =	vst v6;
	v1 =	vmul.f32 $8.000000000e+00, v1  }
0x18f: {  	[tilespmem:s14+$0x30] =	vst v0;
	v61 =	vmul.f32 $8.000000000e+00, v2  }
0x190: {  	s10 =	sadd.s32 s4, s10;
	[tilespmem:s14+$0x40] =	vst v1;
	v62 =	vmul.f32 $8.000000000e+00, v3  }
0x191: {  	s10 =	sshll.u32 s10, $0x3;
	v63 =	vmul.f32 $8.000000000e+00, v4;
	[tilespmem:s14+$0x50] =	vst v61  }
0x192: {  	s9 =	sadd.s32 $0x1, s9;
	s10 =	sand.u32 $0x1FFFF800, s10;
	[tilespmem:s14+$0x60] =	vst v62  }
0x193: {  	p0 =	sne.s32 s9, $0x18;
	s10 =	sadd.s32 s2, s10;
	[tilespmem:s14+$0xFFFFFF80] =	vst v63  }
0x194: {  	[hbm4b:s10+s3] =	stream.linear.scatter [tilespmem:s26], [sflag:$0x8], $0x4000, $0x38;
	[tilespmem:$0x16400] =	vst v63  }
.Ltmp8:
0x195: {  	_ = 	snop;
	(pc) =	sbr.rel @p0 .LBB2_10-.Ltmp8, $4  }
0x196: {  	_ =	swait.ge [sflag:s31], $0x4000  }
0x197: {  	[sflag:s31] =	ssyncset.done $0x0  }
0x198: {  	s17 =	sadd.s32 $0x600, s11;
	[sflag:s31] =	ssyncadd.s32 $0xFFFFC000  }
0x199: {  	[tilespmem:s24], [sflag:$0x3] =	stream.indirect.gather [hbm4b:s5+s20], $0x40, s17, s20, $0xb8;
	[tilespmem:$0x16400] =	vst v63  }
0x19a: {  	_ =	swait.ge [sflag:s28], $0x4000  }
0x19b: {  	[sflag:s28] =	ssyncset.done $0x0  }
0x19c: {  	s9 =	simm.s32 $0x6480;
	[sflag:s28] =	ssyncadd.s32 $0xFFFFC000  }
0x19d: {  	v0 =	vld [tilespmem:s9+$0x70]  }
0x19e: {  	v1 =	vld [tilespmem:s9+$0xFFFFFF90]  }
0x19f: {  	v2 =	vld [tilespmem:s9+$0xFFFFFFA0]  }
0x1a0: {  	v3 =	vld [tilespmem:s9+$0xFFFFFFB0]  }
0x1a1: {  	v4 =	vld [tilespmem:s9+$0xFFFFFFC0]  }
0x1a2: {  	v5 =	vld [tilespmem:s9+$0xFFFFFFD0];
	v0 =	vmul.f32 $8.000000000e+00, v0  }
0x1a3: {  	v6 =	vld [tilespmem:s9+$0xFFFFFFE0];
	v1 =	vmul.f32 $8.000000000e+00, v1  }
0x1a4: {  	v7 =	vld [tilespmem:s9+$0xFFFFFFF0];
	v2 =	vmul.f32 $8.000000000e+00, v2;
	[tilespmem:s9+$0x70] =	vst v0  }
0x1a5: {  	[tilespmem:s9+$0xFFFFFF90] =	vst v1;
	v0 =	vmul.f32 $8.000000000e+00, v3;
	v3 =	vld [tilespmem:s9+$0x0]  }
0x1a6: {  	[tilespmem:s9+$0xFFFFFFA0] =	vst v2;
	v1 =	vmul.f32 $8.000000000e+00, v4;
	v4 =	vld [tilespmem:s9+$0x10]  }
0x1a7: {  	v8 =	vld [tilespmem:s9+$0x20];
	v2 =	vmul.f32 $8.000000000e+00, v5;
	[tilespmem:s9+$0xFFFFFFB0] =	vst v0  }
0x1a8: {  	v5 =	vmul.f32 $8.000000000e+00, v6;
	[tilespmem:s9+$0xFFFFFFC0] =	vst v1;
	v0 =	vld [tilespmem:s9+$0x30]  }
0x1a9: {  	v6 =	vmul.f32 $8.000000000e+00, v7;
	[tilespmem:s9+$0xFFFFFFD0] =	vst v2;
	v1 =	vld [tilespmem:s9+$0x40]  }
0x1aa: {  	[tilespmem:s9+$0xFFFFFFE0] =	vst v5;
	v2 =	vld [tilespmem:s9+$0x50];
	v7 =	vmul.f32 $8.000000000e+00, v3  }
0x1ab: {  	[tilespmem:s9+$0xFFFFFFF0] =	vst v6;
	v3 =	vld [tilespmem:s9+$0x60];
	v5 =	vmul.f32 $8.000000000e+00, v4  }
0x1ac: {  	s10 =	simm.s32 $0x0;
	s11 =	simm.s32 $0x6580;
	v6 =	vmul.f32 $8.000000000e+00, v8;
	v4 =	vld [tilespmem:s9+$0xFFFFFF80];
	[tilespmem:s9+$0x0] =	vst v7  }
.LBB2_20:
0x1ad: {  	v7 =	vld [tilespmem:s11+$0x70];
	s10 =	sadd.s32 $0x4, s10;
	[tilespmem:s9+$0x10] =	vst v5;
	v0 =	vmul.f32 $8.000000000e+00, v0  }
0x1ae: {  	v5 =	vld [tilespmem:s11+$0xFFFFFF90];
	p0 =	slt.u32 s10, $0xFC;
	[tilespmem:s9+$0x20] =	vst v6;
	v1 =	vmul.f32 $8.000000000e+00, v1  }
0x1af: {  	v6 =	vld [tilespmem:s11+$0xFFFFFFA0];
	[tilespmem:s9+$0x30] =	vst v0;
	v0 =	vmul.f32 $8.000000000e+00, v2  }
0x1b0: {  	v2 =	vld [tilespmem:s11+$0xFFFFFFB0];
	[tilespmem:s9+$0x40] =	vst v1;
	v1 =	vmul.f32 $8.000000000e+00, v3  }
0x1b1: {  	v3 =	vld [tilespmem:s11+$0xFFFFFFC0];
	v4 =	vmul.f32 $8.000000000e+00, v4;
	[tilespmem:s9+$0x50] =	vst v0  }
0x1b2: {  	v0 =	vld [tilespmem:s11+$0xFFFFFFD0];
	v7 =	vmul.f32 $8.000000000e+00, v7;
	[tilespmem:s9+$0x60] =	vst v1  }
0x1b3: {  	v1 =	vmul.f32 $8.000000000e+00, v5;
	v5 =	vld [tilespmem:s11+$0xFFFFFFE0];
	[tilespmem:s9+$0xFFFFFF80] =	vst v4;
	s9 =	smov.u32 s11  }
0x1b4: {  	v4 =	vmul.f32 $8.000000000e+00, v6;
	v6 =	vld [tilespmem:s11+$0xFFFFFFF0];
	[tilespmem:s11+$0x70] =	vst v7  }
0x1b5: {  	[tilespmem:s11+$0xFFFFFF90] =	vst v1;
	v1 =	vmul.f32 $8.000000000e+00, v2;
	v2 =	vld [tilespmem:s11+$0x0]  }
0x1b6: {  	[tilespmem:s11+$0xFFFFFFA0] =	vst v4;
	v3 =	vmul.f32 $8.000000000e+00, v3;
	v4 =	vld [tilespmem:s11+$0x10]  }
0x1b7: {  	[tilespmem:s11+$0xFFFFFFB0] =	vst v1;
	v1 =	vmul.f32 $8.000000000e+00, v0;
	v7 =	vld [tilespmem:s11+$0x20]  }
.Ltmp9:
0x1b8: {  	[tilespmem:s11+$0xFFFFFFC0] =	vst v3;
	v3 =	vmul.f32 $8.000000000e+00, v5;
	v0 =	vld [tilespmem:s11+$0x30];
	(pc) =	sbr.rel @p0 .LBB2_20-.Ltmp9, $4  }
0x1b9: {  	[tilespmem:s11+$0xFFFFFFD0] =	vst v1;
	v5 =	vmul.f32 $8.000000000e+00, v6;
	v1 =	vld [tilespmem:s11+$0x40]  }
0x1ba: {  	[tilespmem:s11+$0xFFFFFFE0] =	vst v3;
	v6 =	vmul.f32 $8.000000000e+00, v2;
	v2 =	vld [tilespmem:s11+$0x50]  }
0x1bb: {  	[tilespmem:s11+$0xFFFFFFF0] =	vst v5;
	v5 =	vmul.f32 $8.000000000e+00, v4;
	v3 =	vld [tilespmem:s11+$0x60]  }
0x1bc: {  	s11 =	sadd.s32 $0x100, s11;
	v4 =	vld [tilespmem:s9+$0xFFFFFF80];
	[tilespmem:s9+$0x0] =	vst v6;
	v6 =	vmul.f32 $8.000000000e+00, v7  }
0x1bd: {  	[tilespmem:s9+$0x10] =	vst v5;
	v0 =	vmul.f32 $8.000000000e+00, v0  }
0x1be: {  	[tilespmem:s9+$0x20] =	vst v6;
	v1 =	vmul.f32 $8.000000000e+00, v1  }
0x1bf: {  	[tilespmem:s9+$0x30] =	vst v0;
	v0 =	vmul.f32 $8.000000000e+00, v2  }
0x1c0: {  	[tilespmem:s9+$0x40] =	vst v1;
	v1 =	vmul.f32 $8.000000000e+00, v3  }
0x1c1: {  	v2 =	vmul.f32 $8.000000000e+00, v4;
	[tilespmem:s9+$0x50] =	vst v0  }
0x1c2: {  	[tilespmem:s9+$0x60] =	vst v1  }
0x1c3: {  	[tilespmem:s9+$0xFFFFFF80] =	vst v2  }
0x1c4: {  	s9 =	rddreg [dreg:$0x8]  }
0x1c5: {  	[hbm4b:s9+s3] =	stream.linear.scatter [tilespmem:s21], [sflag:$0x5], $0x4000, $0x38;
	[tilespmem:$0x16400] =	vst v63  }
0x1c6: {  	_ =	swait.ge [sflag:s23], $0x4000  }
0x1c7: {  	[sflag:s23] =	ssyncset.done $0x0  }
0x1c8: {  	s17 =	simm.s32 $0x6300;
	[sflag:s23] =	ssyncadd.s32 $0xFFFFC000  }
0x1c9: {  	[tilespmem:s26], [sflag:$0x4] =	stream.indirect.gather [hbm4b:s5+s20], $0x40, s17, s20, $0xb8;
	[tilespmem:$0x16400] =	vst v63  }
0x1ca: {  	_ =	swait.ge [sflag:s29], $0x4000  }
0x1cb: {  	[sflag:s29] =	ssyncset.done $0x0  }
0x1cc: {  	s9 =	simm.s32 $0xA480;
	[sflag:s29] =	ssyncadd.s32 $0xFFFFC000  }
0x1cd: {  	v0 =	vld [tilespmem:s9+$0x70]  }
0x1ce: {  	v1 =	vld [tilespmem:s9+$0xFFFFFF90]  }
0x1cf: {  	v2 =	vld [tilespmem:s9+$0xFFFFFFA0]  }
0x1d0: {  	v3 =	vld [tilespmem:s9+$0xFFFFFFB0]  }
0x1d1: {  	v4 =	vld [tilespmem:s9+$0xFFFFFFC0]  }
0x1d2: {  	v5 =	vld [tilespmem:s9+$0xFFFFFFD0];
	v0 =	vmul.f32 $8.000000000e+00, v0  }
0x1d3: {  	v6 =	vld [tilespmem:s9+$0xFFFFFFE0];
	v1 =	vmul.f32 $8.000000000e+00, v1  }
0x1d4: {  	v7 =	vld [tilespmem:s9+$0xFFFFFFF0];
	v2 =	vmul.f32 $8.000000000e+00, v2;
	[tilespmem:s9+$0x70] =	vst v0  }
0x1d5: {  	[tilespmem:s9+$0xFFFFFF90] =	vst v1;
	v0 =	vmul.f32 $8.000000000e+00, v3;
	v3 =	vld [tilespmem:s9+$0x0]  }
0x1d6: {  	[tilespmem:s9+$0xFFFFFFA0] =	vst v2;
	v1 =	vmul.f32 $8.000000000e+00, v4;
	v4 =	vld [tilespmem:s9+$0x10]  }
0x1d7: {  	v8 =	vld [tilespmem:s9+$0x20];
	v2 =	vmul.f32 $8.000000000e+00, v5;
	[tilespmem:s9+$0xFFFFFFB0] =	vst v0  }
0x1d8: {  	v5 =	vmul.f32 $8.000000000e+00, v6;
	[tilespmem:s9+$0xFFFFFFC0] =	vst v1;
	v0 =	vld [tilespmem:s9+$0x30]  }
0x1d9: {  	v6 =	vmul.f32 $8.000000000e+00, v7;
	[tilespmem:s9+$0xFFFFFFD0] =	vst v2;
	v1 =	vld [tilespmem:s9+$0x40]  }
0x1da: {  	[tilespmem:s9+$0xFFFFFFE0] =	vst v5;
	v2 =	vld [tilespmem:s9+$0x50];
	v7 =	vmul.f32 $8.000000000e+00, v3  }
0x1db: {  	[tilespmem:s9+$0xFFFFFFF0] =	vst v6;
	v3 =	vld [tilespmem:s9+$0x60];
	v5 =	vmul.f32 $8.000000000e+00, v4  }
0x1dc: {  	s10 =	simm.s32 $0x0;
	s11 =	simm.s32 $0xA580;
	v6 =	vmul.f32 $8.000000000e+00, v8;
	v4 =	vld [tilespmem:s9+$0xFFFFFF80];
	[tilespmem:s9+$0x0] =	vst v7  }
.LBB2_22:
0x1dd: {  	v7 =	vld [tilespmem:s11+$0x70];
	s10 =	sadd.s32 $0x4, s10;
	[tilespmem:s9+$0x10] =	vst v5;
	v0 =	vmul.f32 $8.000000000e+00, v0  }
0x1de: {  	v5 =	vld [tilespmem:s11+$0xFFFFFF90];
	p0 =	slt.u32 s10, $0xFC;
	[tilespmem:s9+$0x20] =	vst v6;
	v1 =	vmul.f32 $8.000000000e+00, v1  }
0x1df: {  	v6 =	vld [tilespmem:s11+$0xFFFFFFA0];
	[tilespmem:s9+$0x30] =	vst v0;
	v0 =	vmul.f32 $8.000000000e+00, v2  }
0x1e0: {  	v2 =	vld [tilespmem:s11+$0xFFFFFFB0];
	[tilespmem:s9+$0x40] =	vst v1;
	v1 =	vmul.f32 $8.000000000e+00, v3  }
0x1e1: {  	v3 =	vld [tilespmem:s11+$0xFFFFFFC0];
	v4 =	vmul.f32 $8.000000000e+00, v4;
	[tilespmem:s9+$0x50] =	vst v0  }
0x1e2: {  	v0 =	vld [tilespmem:s11+$0xFFFFFFD0];
	v7 =	vmul.f32 $8.000000000e+00, v7;
	[tilespmem:s9+$0x60] =	vst v1  }
0x1e3: {  	v1 =	vmul.f32 $8.000000000e+00, v5;
	v5 =	vld [tilespmem:s11+$0xFFFFFFE0];
	[tilespmem:s9+$0xFFFFFF80] =	vst v4;
	s9 =	smov.u32 s11  }
0x1e4: {  	v4 =	vmul.f32 $8.000000000e+00, v6;
	v6 =	vld [tilespmem:s11+$0xFFFFFFF0];
	[tilespmem:s11+$0x70] =	vst v7  }
0x1e5: {  	[tilespmem:s11+$0xFFFFFF90] =	vst v1;
	v1 =	vmul.f32 $8.000000000e+00, v2;
	v2 =	vld [tilespmem:s11+$0x0]  }
0x1e6: {  	[tilespmem:s11+$0xFFFFFFA0] =	vst v4;
	v3 =	vmul.f32 $8.000000000e+00, v3;
	v4 =	vld [tilespmem:s11+$0x10]  }
0x1e7: {  	[tilespmem:s11+$0xFFFFFFB0] =	vst v1;
	v1 =	vmul.f32 $8.000000000e+00, v0;
	v7 =	vld [tilespmem:s11+$0x20]  }
.Ltmp10:
0x1e8: {  	[tilespmem:s11+$0xFFFFFFC0] =	vst v3;
	v3 =	vmul.f32 $8.000000000e+00, v5;
	v0 =	vld [tilespmem:s11+$0x30];
	(pc) =	sbr.rel @p0 .LBB2_22-.Ltmp10, $4  }
0x1e9: {  	[tilespmem:s11+$0xFFFFFFD0] =	vst v1;
	v5 =	vmul.f32 $8.000000000e+00, v6;
	v1 =	vld [tilespmem:s11+$0x40]  }
0x1ea: {  	[tilespmem:s11+$0xFFFFFFE0] =	vst v3;
	v6 =	vmul.f32 $8.000000000e+00, v2;
	v2 =	vld [tilespmem:s11+$0x50]  }
0x1eb: {  	[tilespmem:s11+$0xFFFFFFF0] =	vst v5;
	v5 =	vmul.f32 $8.000000000e+00, v4;
	v3 =	vld [tilespmem:s11+$0x60]  }
0x1ec: {  	s11 =	sadd.s32 $0x100, s11;
	v4 =	vld [tilespmem:s9+$0xFFFFFF80];
	[tilespmem:s9+$0x0] =	vst v6;
	v6 =	vmul.f32 $8.000000000e+00, v7  }
0x1ed: {  	[tilespmem:s9+$0x10] =	vst v5;
	v0 =	vmul.f32 $8.000000000e+00, v0  }
0x1ee: {  	[tilespmem:s9+$0x20] =	vst v6;
	v1 =	vmul.f32 $8.000000000e+00, v1  }
0x1ef: {  	[tilespmem:s9+$0x30] =	vst v0;
	v0 =	vmul.f32 $8.000000000e+00, v2  }
0x1f0: {  	[tilespmem:s9+$0x40] =	vst v1;
	v1 =	vmul.f32 $8.000000000e+00, v3  }
0x1f1: {  	v2 =	vmul.f32 $8.000000000e+00, v4;
	[tilespmem:s9+$0x50] =	vst v0  }
0x1f2: {  	[tilespmem:s9+$0x60] =	vst v1  }
0x1f3: {  	[tilespmem:s9+$0xFFFFFF80] =	vst v2  }
0x1f4: {  	s9 =	rddreg [dreg:$0x9]  }
0x1f5: {  	[hbm4b:s9+s3] =	stream.linear.scatter [tilespmem:s22], [sflag:$0x6], $0x4000, $0x38;
	[tilespmem:$0x16400] =	vst v63  }
0x1f6: {  	_ =	swait.ge [sflag:s0], $0x4000  }
0x1f7: {  	[sflag:s0] =	ssyncset.done $0x0  }
0x1f8: {  	s9 =	simm.s32 $0xE480;
	[sflag:s0] =	ssyncadd.s32 $0xFFFFC000  }
0x1f9: {  	v0 =	vld [tilespmem:s9+$0x70]  }
0x1fa: {  	v1 =	vld [tilespmem:s9+$0xFFFFFF90]  }
0x1fb: {  	v2 =	vld [tilespmem:s9+$0xFFFFFFA0]  }
0x1fc: {  	v3 =	vld [tilespmem:s9+$0xFFFFFFB0]  }
0x1fd: {  	v4 =	vld [tilespmem:s9+$0xFFFFFFC0]  }
0x1fe: {  	v5 =	vld [tilespmem:s9+$0xFFFFFFD0];
	v0 =	vmul.f32 $8.000000000e+00, v0  }
0x1ff: {  	v6 =	vld [tilespmem:s9+$0xFFFFFFE0];
	v1 =	vmul.f32 $8.000000000e+00, v1  }
0x200: {  	v7 =	vld [tilespmem:s9+$0xFFFFFFF0];
	v2 =	vmul.f32 $8.000000000e+00, v2;
	[tilespmem:s9+$0x70] =	vst v0  }
0x201: {  	[tilespmem:s9+$0xFFFFFF90] =	vst v1;
	v0 =	vmul.f32 $8.000000000e+00, v3;
	v3 =	vld [tilespmem:s9+$0x0]  }
0x202: {  	[tilespmem:s9+$0xFFFFFFA0] =	vst v2;
	v1 =	vmul.f32 $8.000000000e+00, v4;
	v4 =	vld [tilespmem:s9+$0x10]  }
0x203: {  	v8 =	vld [tilespmem:s9+$0x20];
	v2 =	vmul.f32 $8.000000000e+00, v5;
	[tilespmem:s9+$0xFFFFFFB0] =	vst v0  }
0x204: {  	v5 =	vmul.f32 $8.000000000e+00, v6;
	[tilespmem:s9+$0xFFFFFFC0] =	vst v1;
	v0 =	vld [tilespmem:s9+$0x30]  }
0x205: {  	v6 =	vmul.f32 $8.000000000e+00, v7;
	[tilespmem:s9+$0xFFFFFFD0] =	vst v2;
	v1 =	vld [tilespmem:s9+$0x40]  }
0x206: {  	[tilespmem:s9+$0xFFFFFFE0] =	vst v5;
	v2 =	vld [tilespmem:s9+$0x50];
	v7 =	vmul.f32 $8.000000000e+00, v3  }
0x207: {  	[tilespmem:s9+$0xFFFFFFF0] =	vst v6;
	v3 =	vld [tilespmem:s9+$0x60];
	v5 =	vmul.f32 $8.000000000e+00, v4  }
0x208: {  	s10 =	simm.s32 $0x0;
	s11 =	simm.s32 $0xE580;
	v6 =	vmul.f32 $8.000000000e+00, v8;
	v4 =	vld [tilespmem:s9+$0xFFFFFF80];
	[tilespmem:s9+$0x0] =	vst v7  }
.LBB2_24:
0x209: {  	v7 =	vld [tilespmem:s11+$0x70];
	s10 =	sadd.s32 $0x4, s10;
	[tilespmem:s9+$0x10] =	vst v5;
	v0 =	vmul.f32 $8.000000000e+00, v0  }
0x20a: {  	v5 =	vld [tilespmem:s11+$0xFFFFFF90];
	p0 =	slt.u32 s10, $0xFC;
	[tilespmem:s9+$0x20] =	vst v6;
	v1 =	vmul.f32 $8.000000000e+00, v1  }
0x20b: {  	v6 =	vld [tilespmem:s11+$0xFFFFFFA0];
	[tilespmem:s9+$0x30] =	vst v0;
	v0 =	vmul.f32 $8.000000000e+00, v2  }
0x20c: {  	v2 =	vld [tilespmem:s11+$0xFFFFFFB0];
	[tilespmem:s9+$0x40] =	vst v1;
	v1 =	vmul.f32 $8.000000000e+00, v3  }
0x20d: {  	v3 =	vld [tilespmem:s11+$0xFFFFFFC0];
	v4 =	vmul.f32 $8.000000000e+00, v4;
	[tilespmem:s9+$0x50] =	vst v0  }
0x20e: {  	v0 =	vld [tilespmem:s11+$0xFFFFFFD0];
	v7 =	vmul.f32 $8.000000000e+00, v7;
	[tilespmem:s9+$0x60] =	vst v1  }
0x20f: {  	v1 =	vmul.f32 $8.000000000e+00, v5;
	v5 =	vld [tilespmem:s11+$0xFFFFFFE0];
	[tilespmem:s9+$0xFFFFFF80] =	vst v4;
	s9 =	smov.u32 s11  }
0x210: {  	v4 =	vmul.f32 $8.000000000e+00, v6;
	v6 =	vld [tilespmem:s11+$0xFFFFFFF0];
	[tilespmem:s11+$0x70] =	vst v7  }
0x211: {  	[tilespmem:s11+$0xFFFFFF90] =	vst v1;
	v1 =	vmul.f32 $8.000000000e+00, v2;
	v2 =	vld [tilespmem:s11+$0x0]  }
0x212: {  	[tilespmem:s11+$0xFFFFFFA0] =	vst v4;
	v3 =	vmul.f32 $8.000000000e+00, v3;
	v4 =	vld [tilespmem:s11+$0x10]  }
0x213: {  	[tilespmem:s11+$0xFFFFFFB0] =	vst v1;
	v1 =	vmul.f32 $8.000000000e+00, v0;
	v7 =	vld [tilespmem:s11+$0x20]  }
.Ltmp11:
0x214: {  	[tilespmem:s11+$0xFFFFFFC0] =	vst v3;
	v3 =	vmul.f32 $8.000000000e+00, v5;
	v0 =	vld [tilespmem:s11+$0x30];
	(pc) =	sbr.rel @p0 .LBB2_24-.Ltmp11, $4  }
0x215: {  	[tilespmem:s11+$0xFFFFFFD0] =	vst v1;
	v5 =	vmul.f32 $8.000000000e+00, v6;
	v1 =	vld [tilespmem:s11+$0x40]  }
0x216: {  	[tilespmem:s11+$0xFFFFFFE0] =	vst v3;
	v6 =	vmul.f32 $8.000000000e+00, v2;
	v2 =	vld [tilespmem:s11+$0x50]  }
0x217: {  	[tilespmem:s11+$0xFFFFFFF0] =	vst v5;
	v5 =	vmul.f32 $8.000000000e+00, v4;
	v3 =	vld [tilespmem:s11+$0x60]  }
0x218: {  	s11 =	sadd.s32 $0x100, s11;
	v4 =	vld [tilespmem:s9+$0xFFFFFF80];
	[tilespmem:s9+$0x0] =	vst v6;
	v6 =	vmul.f32 $8.000000000e+00, v7  }
0x219: {  	[tilespmem:s9+$0x10] =	vst v5;
	v0 =	vmul.f32 $8.000000000e+00, v0  }
0x21a: {  	[tilespmem:s9+$0x20] =	vst v6;
	v1 =	vmul.f32 $8.000000000e+00, v1  }
0x21b: {  	[tilespmem:s9+$0x30] =	vst v0;
	v0 =	vmul.f32 $8.000000000e+00, v2  }
0x21c: {  	[tilespmem:s9+$0x40] =	vst v1;
	v1 =	vmul.f32 $8.000000000e+00, v3  }
0x21d: {  	v2 =	vmul.f32 $8.000000000e+00, v4;
	[tilespmem:s9+$0x50] =	vst v0  }
0x21e: {  	[tilespmem:s9+$0x60] =	vst v1  }
0x21f: {  	[tilespmem:s9+$0xFFFFFF80] =	vst v2  }
0x220: {  	s9 =	rddreg [dreg:$0xa]  }
0x221: {  	[hbm4b:s9+s3] =	stream.linear.scatter [tilespmem:s24], [sflag:$0x7], $0x4000, $0x38;
	[tilespmem:$0x16400] =	vst v63  }
0x222: {  	_ =	swait.ge [sflag:s25], $0x4000  }
0x223: {  	[sflag:s25] =	ssyncset.done $0x0  }
0x224: {  	s9 =	simm.s32 $0x12480;
	[sflag:s25] =	ssyncadd.s32 $0xFFFFC000  }
0x225: {  	v0 =	vld [tilespmem:s9+$0x70]  }
0x226: {  	v1 =	vld [tilespmem:s9+$0xFFFFFF90]  }
0x227: {  	v2 =	vld [tilespmem:s9+$0xFFFFFFA0]  }
0x228: {  	v3 =	vld [tilespmem:s9+$0xFFFFFFB0]  }
0x229: {  	v4 =	vld [tilespmem:s9+$0xFFFFFFC0]  }
0x22a: {  	v5 =	vld [tilespmem:s9+$0xFFFFFFD0];
	v0 =	vmul.f32 $8.000000000e+00, v0  }
0x22b: {  	v6 =	vld [tilespmem:s9+$0xFFFFFFE0];
	v1 =	vmul.f32 $8.000000000e+00, v1  }
0x22c: {  	v7 =	vld [tilespmem:s9+$0xFFFFFFF0];
	v2 =	vmul.f32 $8.000000000e+00, v2;
	[tilespmem:s9+$0x70] =	vst v0  }
0x22d: {  	[tilespmem:s9+$0xFFFFFF90] =	vst v1;
	v0 =	vmul.f32 $8.000000000e+00, v3;
	v3 =	vld [tilespmem:s9+$0x0]  }
0x22e: {  	[tilespmem:s9+$0xFFFFFFA0] =	vst v2;
	v1 =	vmul.f32 $8.000000000e+00, v4;
	v4 =	vld [tilespmem:s9+$0x10]  }
0x22f: {  	v8 =	vld [tilespmem:s9+$0x20];
	v2 =	vmul.f32 $8.000000000e+00, v5;
	[tilespmem:s9+$0xFFFFFFB0] =	vst v0  }
0x230: {  	v5 =	vmul.f32 $8.000000000e+00, v6;
	[tilespmem:s9+$0xFFFFFFC0] =	vst v1;
	v0 =	vld [tilespmem:s9+$0x30]  }
0x231: {  	v6 =	vmul.f32 $8.000000000e+00, v7;
	[tilespmem:s9+$0xFFFFFFD0] =	vst v2;
	v1 =	vld [tilespmem:s9+$0x40]  }
0x232: {  	[tilespmem:s9+$0xFFFFFFE0] =	vst v5;
	v2 =	vld [tilespmem:s9+$0x50];
	v7 =	vmul.f32 $8.000000000e+00, v3  }
0x233: {  	[tilespmem:s9+$0xFFFFFFF0] =	vst v6;
	v3 =	vld [tilespmem:s9+$0x60];
	v5 =	vmul.f32 $8.000000000e+00, v4  }
0x234: {  	s10 =	simm.s32 $0x0;
	s11 =	simm.s32 $0x12580;
	v6 =	vmul.f32 $8.000000000e+00, v8;
	v4 =	vld [tilespmem:s9+$0xFFFFFF80];
	[tilespmem:s9+$0x0] =	vst v7  }
.LBB2_26:
0x235: {  	v7 =	vld [tilespmem:s11+$0x70];
	s10 =	sadd.s32 $0x4, s10;
	[tilespmem:s9+$0x10] =	vst v5;
	v0 =	vmul.f32 $8.000000000e+00, v0  }
0x236: {  	v5 =	vld [tilespmem:s11+$0xFFFFFF90];
	p0 =	slt.u32 s10, $0xFC;
	[tilespmem:s9+$0x20] =	vst v6;
	v1 =	vmul.f32 $8.000000000e+00, v1  }
0x237: {  	v6 =	vld [tilespmem:s11+$0xFFFFFFA0];
	[tilespmem:s9+$0x30] =	vst v0;
	v0 =	vmul.f32 $8.000000000e+00, v2  }
0x238: {  	v2 =	vld [tilespmem:s11+$0xFFFFFFB0];
	[tilespmem:s9+$0x40] =	vst v1;
	v1 =	vmul.f32 $8.000000000e+00, v3  }
0x239: {  	v3 =	vld [tilespmem:s11+$0xFFFFFFC0];
	v4 =	vmul.f32 $8.000000000e+00, v4;
	[tilespmem:s9+$0x50] =	vst v0  }
0x23a: {  	v0 =	vld [tilespmem:s11+$0xFFFFFFD0];
	v7 =	vmul.f32 $8.000000000e+00, v7;
	[tilespmem:s9+$0x60] =	vst v1  }
0x23b: {  	v1 =	vmul.f32 $8.000000000e+00, v5;
	v5 =	vld [tilespmem:s11+$0xFFFFFFE0];
	[tilespmem:s9+$0xFFFFFF80] =	vst v4;
	s9 =	smov.u32 s11  }
0x23c: {  	v4 =	vmul.f32 $8.000000000e+00, v6;
	v6 =	vld [tilespmem:s11+$0xFFFFFFF0];
	[tilespmem:s11+$0x70] =	vst v7  }
0x23d: {  	[tilespmem:s11+$0xFFFFFF90] =	vst v1;
	v1 =	vmul.f32 $8.000000000e+00, v2;
	v2 =	vld [tilespmem:s11+$0x0]  }
0x23e: {  	[tilespmem:s11+$0xFFFFFFA0] =	vst v4;
	v3 =	vmul.f32 $8.000000000e+00, v3;
	v4 =	vld [tilespmem:s11+$0x10]  }
0x23f: {  	[tilespmem:s11+$0xFFFFFFB0] =	vst v1;
	v1 =	vmul.f32 $8.000000000e+00, v0;
	v7 =	vld [tilespmem:s11+$0x20]  }
.Ltmp12:
0x240: {  	[tilespmem:s11+$0xFFFFFFC0] =	vst v3;
	v3 =	vmul.f32 $8.000000000e+00, v5;
	v0 =	vld [tilespmem:s11+$0x30];
	(pc) =	sbr.rel @p0 .LBB2_26-.Ltmp12, $4  }
0x241: {  	[tilespmem:s11+$0xFFFFFFD0] =	vst v1;
	v5 =	vmul.f32 $8.000000000e+00, v6;
	v1 =	vld [tilespmem:s11+$0x40]  }
0x242: {  	[tilespmem:s11+$0xFFFFFFE0] =	vst v3;
	v6 =	vmul.f32 $8.000000000e+00, v2;
	v2 =	vld [tilespmem:s11+$0x50]  }
0x243: {  	[tilespmem:s11+$0xFFFFFFF0] =	vst v5;
	v5 =	vmul.f32 $8.000000000e+00, v4;
	v3 =	vld [tilespmem:s11+$0x60]  }
0x244: {  	s11 =	sadd.s32 $0x100, s11;
	v4 =	vld [tilespmem:s9+$0xFFFFFF80];
	[tilespmem:s9+$0x0] =	vst v6;
	v6 =	vmul.f32 $8.000000000e+00, v7  }
0x245: {  	[tilespmem:s9+$0x10] =	vst v5;
	v0 =	vmul.f32 $8.000000000e+00, v0  }
0x246: {  	[tilespmem:s9+$0x20] =	vst v6;
	v1 =	vmul.f32 $8.000000000e+00, v1  }
0x247: {  	[tilespmem:s9+$0x30] =	vst v0;
	v61 =	vmul.f32 $8.000000000e+00, v2  }
0x248: {  	[tilespmem:s9+$0x40] =	vst v1;
	v62 =	vmul.f32 $8.000000000e+00, v3  }
0x249: {  	v63 =	vmul.f32 $8.000000000e+00, v4;
	[tilespmem:s9+$0x50] =	vst v61  }
0x24a: {  	[tilespmem:s9+$0x60] =	vst v62  }
0x24b: {  	[tilespmem:s9+$0xFFFFFF80] =	vst v63  }
0x24c: {  	s9 =	rddreg [dreg:$0xb]  }
0x24d: {  	[hbm4b:s9+s3] =	stream.linear.scatter [tilespmem:s26], [sflag:$0x8], $0x4000, $0x38;
	[tilespmem:$0x16400] =	vst v63  }
0x24e: {  	_ =	swait.ge [sflag:s30], $0x4000  }
0x24f: {  	[sflag:s30] =	ssyncset.done $0x0  }
0x250: {  	[sflag:s30] =	ssyncadd.s32 $0xFFFFC000  }
0x251: {  	_ =	swait.ge [sflag:s1], $0x4000  }
0x252: {  	[sflag:s1] =	ssyncset.done $0x0  }
0x253: {  	s7 =	sadd.s32 $0x1, s7;
	[sflag:s1] =	ssyncadd.s32 $0xFFFFC000  }
0x254: {  	p0 =	sne.s32 s7, s18;
	_ =	swait.ge [sflag:s31], $0x4000  }
.Ltmp13:
0x255: {  	[sflag:s31] =	ssyncset.done $0x0;
	(pc) =	sbr.rel @p0 .LBB2_1-.Ltmp13, $4  }
0x256: {  	[sflag:s31] =	ssyncadd.s32 $0xFFFFC000  }
0x257: {  	_ =	swait.ge [sflag:s23], $0x4000  }
0x258: {  	[sflag:s23] =	ssyncset.done $0x0  }
0x259: {  	[sflag:s23] =	ssyncadd.s32 $0xFFFFC000  }
0x25a: {  	_ =	sfence.sel $0x180000  }
0x25b: {  	[bflag:$0x0] =	sbarrier.arrive $0xFFFF  }
0x25c: {  	_ =	strace $0x90000047  }
0x25d: {  	s0 =	stileid.u32;
	[bflag:$0x2] =	sbarrier.arrive $0xFFFF  }
0x25e: {  	p0 =	sne.s32 s0, $0x0;
	s0 =	rddreg [dreg:$0x3]  }
0x25f: {  	s0 =	sadd.s32 @!p0 $0x100000, s0  }
0x260: {  	[sflag:s0] =	ssyncadd.tile.s32 @!p0 $0x1;
	_ =	shalt  }
.Lfunc_end2:
_tile_overlayer_lowered:
.L_overlay_start_2:
0x261: {  	(tag) =	ssettag $0x2  }
0x262: {  	s0 =	rddreg [dreg:$0x0];
	s2 =	stileid.u32  }
0x263: {  	s1 =	rddreg [dreg:$0x1];
	p0 =	sne.s32 s2, $0x0  }
0x264: {  	s3 =	rddreg [dreg:$0x2];
	[bflag:$0x3] =	sbarrier.arrive $0xFFFF;
	s2 =	simm.s32 @!p0 $0x1C09  }
0x265: {  	[timem:s3], [sflag:s2] =	dma.local @!p0 [hbm:s0], s1  }
0x266: {  	s0 =	simm.s32 @!p0 $0x9  }
0x267: {  	_ =	swait.ge @!p0 [sflag:s0], s1  }
0x268: {  	s1 =	ssub.s32 @!p0 $0x0, s1;
	[sflag:s0] =	ssyncset.done @!p0 $0x0  }
0x269: {  	[sflag:s0] =	ssyncadd.s32 @!p0 s1  }
0x26a: {  	[bflag:$0x3] =	sbarrier.arrive $0xFFFF  }
0x26b: {  	_ =	shalt  }

// kernel: sparse-core-data-format-call.cloned.1.call-start
scs
called_computation_lowered:
.L_overlay_start_0:
0x0: {  	s2 =	sld [smem:$0x3FD9]  }
0x1: {  	s3 =	sld [smem:$0x3FFE];
	_ =	sdelay $0x1  }
0x2: {  	s1 =	srdreg.scid  }
0x3: {  	s0 =	sand.u32 $0x1, s1  }
0x4: {  	s18 =	sshll.u32 s0, $0xA;
	s2 =	sadd.s32 s3, s2  }
0x5: {  	s2 =	sadd.s32 s2, s18  }
0x6: {  	[smem:$0x3FC6] =	sst s2  }
0x7: {  	_ = 	snop  }
0x8: {  	s2 =	sld [smem:$0x3FD0];
	(tm) =	ssettm $0x1  }
0x9: {  	s19 =	sld [smem:$0x3FFB];
	_ =	sdelay $0x3  }
0xa: {  	_ =	strace s19  }
0xb: {  	s3 =	sld [smem:$0x3FFC];
	_ =	sdelay $0x3  }
0xc: {  	_ =	strace s3  }
0xd: {  	s3 =	sld [smem:$0x3FFD];
	_ =	sdelay $0x3  }
0xe: {  	_ =	strace s3  }
0xf: {  	_ =	strace $0x8FFFFFFF  }
0x10: {  	s20 =	sld [smem:$0x3FDB];
	_ =	sdelay $0x1  }
0x11: {  	s4 =	simm.s32 $_scs_section_size  }
0x12: {  	s5 =	simm.s32 $_size__tile_overlayer_lowered;
	s6 =	simm.s32 $_tile_overlayer_lowered  }
0x13: {  	s23 =	simm.s32 $0x1BFF;
	s22 =	sshll.u32 s6, $0x1;
	s3 =	sadd.s32 s4, s20  }
0x14: {  	s7 =	simm.s32 $0x0;
	s21 =	sshll.u32 s5, $0x1;
	s5 =	sadd.s32 s22, s3  }
0x15: {  	[timem:s7], [sflag:s23] =	dma.local [hbm:s5], s21  }
0x16: {  	_ =	swait.ge [sflag:s23], s21  }
0x17: {  	s4 =	ssub.s32 $0x0, s21;
	[sflag:s23] =	ssyncset.done $0x0  }
0x18: {  	[sflag:s23] =	ssyncadd.s32 s4;
	_ =	sdelay $0x1  }
0x19: {  	s24 =	simm.s32 $0x1B8B  }
0x1a: {  	_ =	swait.ge [sflag:s24], $0x1  }
0x1b: {  	[sflag:s24] =	ssyncset.done $0x0  }
0x1c: {  	s26 =	simm.s32 $0x1B8E;
	s25 =	sld [smem:$0x3FFE];
	[sflag:s24] =	ssyncadd.s32 $0xFFFFFFFF  }
0x1d: {  	s27 =	simm.s32 $execute0_lowered;
	[smem:$0x3FD2] =	sst s26  }
0x1e: {  	s5 =	sshll.u32 s27, $0x1;
	_ =	strace $0x80000049;
	[dreg:$0x1] =	wrdreg $0xFFFFFFFF  }
0x1f: {  	s28 =	simm.s32 $_size_execute0_lowered;
	s3 =	sadd.s32 s3, s5;
	[dreg:$0x0] =	wrdreg $0x0  }
0x20: {  	s5 =	sshll.u32 s28, $0x1;
	[dreg:$0x2] =	wrdreg s3  }
0x21: {  	[dreg:$0x3] =	wrdreg s5  }
0x22: {  	[dreg:$0x4] =	wrdreg $0xC0  }
0x23: {  	_ =	task [dreg:s7], $0x5FFFF  }
0x24: {  	[dreg:$0x1] =	wrdreg $0xFFFFFFFF  }
0x25: {  	[dreg:$0x0] =	wrdreg $0x60  }
0x26: {  	[dreg:$0x2] =	wrdreg s25  }
0x27: {  	[dreg:$0x3] =	wrdreg s2  }
0x28: {  	[dreg:$0x4] =	wrdreg $0x9  }
0x29: {  	_ =	task.clear_ibuf [dreg:s7], $0x5FFFF;
	_ =	strace $0x90000049  }
0x2a: {  	s29 =	simm.s32 $0x9;
	_ =	strace $0x8000004B  }
0x2b: {  	_ =	swait.ge [sflag:s29], $0x1  }
0x2c: {  	[sflag:s29] =	ssyncadd.s32 $0xFFFFFFFF  }
0x2d: {  	_ =	strace $0x9000004B  }
0x2e: {  	_ =	sfence  }
0x2f: {  	s30 =	sld [smem:$0x0];
	_ =	sdelay $0x2  }
0x30: {  	s31 =	sshll.u32 s1, $0xD;
	s1 =	sshrl.u32 s1, $0x2  }
0x31: {  	s3 =	sand.u32 $0x4000, s31;
	s1 =	sadd.s32 s1, s30  }
0x32: {  	s0 =	sor.u32 s3, s0;
	s1 =	sshll.u32 s1, $0x11  }
0x33: {  	s0 =	sor.u32 s1, s0  }
0x34: {  	s0 =	sadd.s32 $0x8F2B, s0  }
0x35: {  	[sflag:s0] =	ssyncadd.remote.s32 $0x1  }
0x36: {  	_ =	sfence.sel $0xFFFF  }
0x37: {  	[dreg:$0x0] =	wrdreg $0xFFFFFFFF;
	(pc) =	sbr.abs _section_cstart, $3  }
0x38: {  	[dreg:$0x1] =	wrdreg $0xFFFFFFFF  }
0x39: {  	_ =	task.clear_ibuf [dreg:s7], $0x2FFFF;
	_ =	strace $0x9FFFFFFF  }
0x3a: {  	(tm) =	ssettm $0x7FFFFFFF  }
0x3b: {  	_ =	shalt  }
tec
execute0_lowered:
.L_overlay_start_1:
0x0: {  	(tag) =	ssettag $0x1  }
0x1: {  	s0 =	srdreg.scid  }
0x2: {  	s1 =	sshll.u32 s0, $0x4  }
0x3: {  	s4 =	rddreg [dreg:$0x0];
	s0 =	stileid.u32;
	s1 =	sand.u32 $0x10, s1  }
0x4: {  	s2 =	rddreg [dreg:$0x1];
	s7 =	simm.s32 $0x1;
	s1 =	sor.u32 s0, s1  }
0x5: {  	s8 =	simm.s32 $0x2;
	s11 =	simm.s32 $0x0;
	s3 =	sshll.u32 s1, $0x7  }
0x6: {  	s10 =	simm.s32 $0x0;
	s4 =	sadd.s32 $0x800, s4;
	s6 =	ssub.s32 $0xC8000, s3  }
.Ltmp0:
0x7: {  	s1 =	rddreg [dreg:$0x2];
	s5 =	sand.u32 $0xF80, s6;
	(pc) =	sbr.rel .LBB1_1-.Ltmp0, $4  }
0x8: {  	_ =	strace $0x8000004A;
	s9 =	smov.u32 s3;
	p0 =	sne.s32 s5, $0x0  }
0x9: {  	s6 =	sshrl.u32 s6, $0xC;
	s5 =	simm.s32 $0x1;
	s7 =	simm.s32 @!p0 $0x0  }
0xa: {  	[sflag:s5] =	ssyncpa.u1 $0x0;
	p0 =	por $0x0, $0x0;
	s6 =	sadd.s32 s7, s6  }
0xb: {  	[sflag:s8] =	ssyncpa.u1 $0x0;
	s8 =	simm.s32 $0x640000;
	s7 =	sadd.s32 $0x1, s6  }
.LBB1_4:
0xc: {  	s14 =	sshll.u32 s11, $0x3  }
0xd: {  	s30 =	sand.u32 $0x7F, s11;
	s15 =	sand.u32 $0xFFFFFC00, s14  }
0xe: {  	s11 =	sor.u32 s30, s15  }
0xf: {  	s15 =	smulhi.u32 $0x51EB851F, s11  }
0x10: {  	s14 =	smulhi.u32 $0x51EB851F, s14  }
0x11: {  	s15 =	sshrl.u32 s15, $0x12  }
0x12: {  	s14 =	sshrl.u32 s14, $0x12;
	s15 =	smul.u32 $0xC8000, s15  }
0x13: {  	s14 =	sand.u32 $0x3F, s14  }
0x14: {  	s14 =	smul.u32 $0x19000, s14;
	s11 =	ssub.s32 s11, s15  }
0x15: {  	[tilespmem:s13+$0x810 ss:$0x81] =	vst.msk $0xffff, v2;
	s15 =	sand.u32 $0x7, s11  }
0x16: {  	[tilespmem:s13+$0x1020 ss:$0x81] =	vst.msk $0xffff, v0;
	s14 =	sadd.s32 s2, s14;
	s11 =	sshrl.u32 s11, $0x3;
	s15 =	sshll.u32 s15, $0x12  }
0x17: {  	[tilespmem:s13+$0x0 ss:$0x81] =	vst.msk $0xffff, v1;
	s11 =	sadd.s32 s11, s14;
	s31 =	sor.u32 $0x400, s15  }
0x18: {  	[hbm4b:s11+s31] =	stream.strided.scatter [tilespmem:s12], [sflag:$0x2], $0x2000, s8, s31, $0x20;
	[tilespmem:$0x8080] =	vst v63  }
.LBB1_5:
0x19: {  	s13 =	sadd.s32 $0x1000, s9  }
0x1a: {  	p2 =	sgt.s32 s13, $0xC7FFF  }
0x1b: {  	s13 =	smov.u32 @p2 s3;
	p2 =	sne.s32 s10, s7  }
.Ltmp1:
0x1c: {  	p1 =	slt.u32 s10, $0x2;
	(pc) =	sbr.rel @!p2 .LBB1_6-.Ltmp1, $4  }
0x1d: {  	s12 =	simm.s32 @!p1 $0x2  }
0x1e: {  	s14 =	sadd.s32 $0x1, s10;
	_ =	swait.ge @!p1 [sflag:s12], $0x2000  }
0x1f: {  	s11 =	smov.u32 s9;
	p0 =	por !p0, !p0;
	[sflag:s12] =	ssyncset.done @!p1 $0x0  }
0x20: {  	s10 =	smov.u32 s14;
	s9 =	smov.u32 s13;
	[sflag:s12] =	ssyncadd.s32 @!p1 $0xFFFFE000  }
.LBB1_1:
0x21: {  	p1 =	sge.u32 s10, s6  }
0x22: {  	s12 =	sand.u32 @!p1 $0x1FFFFFF, s9  }
0x23: {  	s13 =	smulhi.u32 @!p1 $0x147AE15, s12;
	_ =	sdelay $0x1  }
0x24: {  	s13 =	sshrl.u32 @!p1 s13, $0xC  }
0x25: {  	s13 =	smul.u32 @!p1 $0xC8000, s13;
	_ =	sdelay $0x1  }
0x26: {  	s31 =	sadd.s32 $0xFFFFFFFF, s10;
	s14 =	sxor.u32 @!p1 $0xFFFFFFFF, s10;
	s12 =	ssub.s32 @!p1 s12, s13  }
0x27: {  	s15 =	simm.s32 @!p1 $0x80;
	s14 =	sshll.u32 @!p1 s14, $0xD;
	s12 =	sshll.u32 @!p1 s12, $0x4  }
0x28: {  	s13 =	sand.u32 @!p1 $0x2000, s14;
	s14 =	simm.s32 @!p1 $0x40;
	s12 =	sadd.s32 @!p1 s4, s12  }
0x29: {  	[tilespmem:s13], [sflag:$0x1] =	stream.strided.gather @!p1 [hbm4b:s12+s14], $0x2000, s15, s14, $0x38;
	[tilespmem:$0x8080] =	vst v63  }
0x2a: {  	p1 =	sge.u32 s31, s6  }
.Ltmp2:
0x2b: {  	_ = 	snop;
	(pc) =	sbr.rel @p1 .LBB1_5-.Ltmp2, $1  }
0x2c: {  	_ =	sdelay $0x3  }
0x2d: {  	s12 =	simm.s32 $0x1  }
0x2e: {  	_ =	swait.ge [sflag:s5], $0x2000;
	s12 =	simm.s32 @!p0 $0x0  }
0x2f: {  	[sflag:s5] =	ssyncset.done $0x0;
	s13 =	sshll.u32 s12, $0xD  }
0x30: {  	[sflag:s5] =	ssyncadd.s32 $0xFFFFE000;
	s16 =	sor.u32 $0x20, s13  }
0x31: {  	s12 =	smul.u32 $0x8100, s12;
	v3 =	vld [tilespmem:s16+$0x10]  }
0x32: {  	s30 =	sand.u32 $0x1, s10;
	v2 =	vld [tilespmem:s16+$0xFFFFFFF0]  }
0x33: {  	s13 =	smul.u32 $0x8100, s30;
	s12 =	sshrl.u32 s12, $0x2;
	v0 =	vld [tilespmem:s16+$0x0]  }
0x34: {  	v1 =	vld [tilespmem:s16+$0xFFFFFFE0];
	s14 =	sor.u32 $0x4000, s12  }
0x35: {  	s31 =	sshrl.u32 s13, $0x2;
	s13 =	sadd.s32 $0x0, s14  }
0x36: {  	s15 =	simm.s32 $0x4;
	s16 =	sadd.s32 $0x40, s16;
	s12 =	sor.u32 $0x4000, s31;
	[tilespmem:s13+$0x1830 ss:$0x81] =	vst.msk $0xffff, v3  }
.LBB1_3:
0x37: {  	v3 =	vld [tilespmem:s16+$0x10];
	p1 =	sne.s32 s15, $0x1FC;
	[tilespmem:s13+$0x810 ss:$0x81] =	vst.msk $0xffff, v2;
	s17 =	smov.u32 s15;
	s15 =	sadd.s32 $0x4, s15  }
.Ltmp3:
0x38: {  	v2 =	vld [tilespmem:s16+$0xFFFFFFF0];
	[tilespmem:s13+$0x1020 ss:$0x81] =	vst.msk $0xffff, v0;
	(pc) =	sbr.rel @p1 .LBB1_3-.Ltmp3, $4  }
0x39: {  	v0 =	vld [tilespmem:s16+$0x0];
	[tilespmem:s13+$0x0 ss:$0x81] =	vst.msk $0xffff, v1  }
0x3a: {  	s13 =	sshra.s32 s17, $0x2;
	v1 =	vld [tilespmem:s16+$0xFFFFFFE0]  }
0x3b: {  	s13 =	sadd.s32 s13, s14  }
0x3c: {  	s16 =	sadd.s32 $0x40, s16;
	[tilespmem:s13+$0x1830 ss:$0x81] =	vst.msk $0xffff, v3  }
.Ltmp4:
0x3d: {  	_ = 	snop;
	(pc) =	sbr.rel .LBB1_4-.Ltmp4, $1  }
0x3e: {  	_ =	sdelay $0x3  }
.LBB1_6:
0x3f: {  	_ =	sfence.sel $0x180000  }
0x40: {  	s2 =	simm.s32 $0x1;
	[bflag:$0x0] =	sbarrier.arrive $0xFFFF  }
0x41: {  	s31 =	simm.s32 $0x2;
	[sflag:s2] =	ssyncpa.u1 $0x1  }
0x42: {  	[sflag:s31] =	ssyncpa.u1 $0x1  }
0x43: {  	p0 =	sne.s32 s0, $0x0;
	_ =	strace $0x9000004A  }
0x44: {  	s0 =	sadd.s32 @!p0 $0x100000, s1;
	[bflag:$0x2] =	sbarrier.arrive $0xFFFF  }
0x45: {  	[sflag:s0] =	ssyncadd.tile.s32 @!p0 $0x1;
	_ =	shalt  }
.Lfunc_end1:
_tile_overlayer_lowered:
.L_overlay_start_2:
0x46: {  	(tag) =	ssettag $0x2  }
0x47: {  	s0 =	rddreg [dreg:$0x0];
	s2 =	stileid.u32  }
0x48: {  	s1 =	rddreg [dreg:$0x1];
	p0 =	sne.s32 s2, $0x0  }
0x49: {  	s3 =	rddreg [dreg:$0x2];
	[bflag:$0x3] =	sbarrier.arrive $0xFFFF;
	s2 =	simm.s32 @!p0 $0x1C01  }
0x4a: {  	[timem:s3], [sflag:s2] =	dma.local @!p0 [hbm:s0], s1  }
0x4b: {  	s0 =	simm.s32 @!p0 $0x1  }
0x4c: {  	_ =	swait.ge @!p0 [sflag:s0], s1  }
0x4d: {  	s1 =	ssub.s32 @!p0 $0x0, s1;
	[sflag:s0] =	ssyncset.done @!p0 $0x0  }
0x4e: {  	[sflag:s0] =	ssyncadd.s32 @!p0 s1  }
0x4f: {  	[bflag:$0x3] =	sbarrier.arrive $0xFFFF  }
0x50: {  	_ =	shalt  }

</sc_bundles>
